<compile_context>
chip_gen: v7x
topology: tpu7x:2x2x1
jax: 0.10.2.dev20260603
libtpu: 0.0.44.dev20260713+nightly
codegen_flags: <defaults>
</compile_context>

<pallas_src>
import functools

import jax
import jax.numpy as jnp
from jax import lax
from jax.experimental import pallas as pl
from jax.experimental.pallas import tpu as pltpu
from jax.experimental.pallas import tpu_sc as plsc

_MIN_NORM = 1e-15
_BALL_EPS = 4e-3
_KPAD = 1024
_BB = 512
_NW = 32
_NSEM = 4


def _tanh(x):
    return jnp.tanh(jnp.clip(x, -15.0, 15.0))


def _tc_body(idx_ref, head_ref, tail_ref, tab_ref, out_ref):
    f32 = jnp.float32
    idx = idx_ref[0:1, :]
    x0 = head_ref[...]
    tab = tab_ref[...]
    D, bB = x0.shape
    K = tab.shape[1]

    kio = lax.broadcasted_iota(jnp.int32, (K, bB), 0)
    onehot = (kio == idx).astype(f32)
    g = jnp.dot(tab, onehot, preferred_element_type=f32)
    rel_half = g[:D, :]
    gd = g[D:2 * D, :]
    c_raw = g[2 * D:2 * D + 1, :]
    c = jnp.maximum(c_raw, 0.0) + jnp.log(1.0 + jnp.exp(-jnp.abs(c_raw)))
    sqrt_c = jnp.sqrt(c)

    r_io = lax.broadcasted_iota(jnp.int32, (D, D), 0)
    c_io = lax.broadcasted_iota(jnp.int32, (D, D), 1)
    P = (r_io == (c_io ^ 1)).astype(f32)

    def psw(v):
        return jnp.dot(P, v, preferred_element_type=f32)

    row = lax.broadcasted_iota(jnp.int32, (D, bB), 0)
    even = (row & 1) == 0
    gs = psw(gd)
    nrm = jnp.sqrt(gd * gd + gs * gs)
    gn = gd / jnp.maximum(nrm, _MIN_NORM)
    gns = psw(gn)
    xs = psw(x0)
    refl = jnp.where(even, gn * x0 + gns * xs, gn * xs - gns * x0)

    def _project(x):
        n = jnp.maximum(jnp.sqrt(jnp.sum(x * x, 0, keepdims=True)), _MIN_NORM)
        maxn = (1.0 - _BALL_EPS) / sqrt_c
        return jnp.where(n > maxn, x / n * maxn, x)

    def _expmap0(u):
        un = jnp.maximum(jnp.sqrt(jnp.sum(u * u, 0, keepdims=True)), _MIN_NORM)
        gmm = _tanh(sqrt_c * un) * u / (sqrt_c * un)
        return _project(gmm)

    lhs = _expmap0(refl)
    rel_h = _expmap0(rel_half)

    x2m = jnp.sum(lhs * lhs, 0, keepdims=True)
    y2m = jnp.sum(rel_h * rel_h, 0, keepdims=True)
    xym = jnp.sum(lhs * rel_h, 0, keepdims=True)
    num = (1.0 + 2.0 * c * xym + c * y2m) * lhs + (1.0 - c * x2m) * rel_h
    den = 1.0 + 2.0 * c * xym + c * c * x2m * y2m
    res = _project(num / jnp.maximum(den, _MIN_NORM))

    tail = tail_ref[...]
    v2 = jnp.sum(tail * tail, axis=1)
    vnorm = jnp.sqrt(v2)
    xv = jnp.sum(res[None, :, :] * tail, axis=1) / vnorm
    x2 = jnp.sum(res * res, 0, keepdims=True)
    gam = _tanh(sqrt_c * vnorm) / sqrt_c
    c1 = 1.0 - 2.0 * c * gam * xv + c * gam * gam
    c2 = 1.0 - c * x2
    numd = jnp.sqrt(jnp.maximum(
        c1 * c1 * x2 + c2 * c2 * gam * gam - 2.0 * c1 * c2 * gam * xv, 0.0))
    dend = 1.0 - 2.0 * c * gam * xv + (c * c) * (gam * gam) * x2
    pn = numd / jnp.maximum(dend, _MIN_NORM)
    sp = jnp.clip(sqrt_c * pn, -1.0 + 1e-5, 1.0 - 1e-5)
    dist = 0.5 * (jnp.log(1.0 + sp) - jnp.log(1.0 - sp))
    d = 2.0 * dist / sqrt_c
    out_ref[...] = -(d * d)


def _tc_scores(idx8, headT, tailT, tabT, interpret=False):
    NEG, D, B = tailT.shape
    return pl.pallas_call(
        _tc_body,
        grid=(B // _BB,),
        in_specs=[
            pl.BlockSpec((8, _BB), lambda i: (0, i)),
            pl.BlockSpec((D, _BB), lambda i: (0, i)),
            pl.BlockSpec((NEG, D, _BB), lambda i: (0, 0, i)),
            pl.BlockSpec((3 * D, _KPAD), lambda i: (0, 0)),
        ],
        out_specs=pl.BlockSpec((NEG, _BB), lambda i: (0, i)),
        out_shape=jax.ShapeDtypeStruct((NEG, B), jnp.float32),
        interpret=interpret,
    )(idx8, headT, tailT, tabT)


def _sc_gather(bt_flat, bh_flat, idx_bt2d, idx_bh):
    n_rows, chunk = idx_bt2d.shape
    B = idx_bh.shape[0]
    rows_w = B // _NW
    ck_w = n_rows // _NW
    n_w = ck_w * chunk
    mesh = plsc.VectorSubcoreMesh(core_axis_name="c", subcore_axis_name="s")

    @functools.partial(
        pl.kernel,
        mesh=mesh,
        out_type=(jax.ShapeDtypeStruct((B * 64,), jnp.float32),
                  jax.ShapeDtypeStruct((B,), jnp.float32)),
        scratch_types=[
            pltpu.VMEM((ck_w, chunk), jnp.int32),
            pltpu.VMEM((n_w,), jnp.float32),
            pltpu.VMEM((rows_w,), jnp.int32),
            pltpu.VMEM((rows_w,), jnp.float32),
            [pltpu.SemaphoreType.DMA] * _NSEM,
            pltpu.SemaphoreType.DMA,
        ],
    )
    def run(bt_h, bh_h, ibt_h, ibh_h, out_h, outh_h,
            ibt_v, vbt_v, ibh_v, vbh_v, sems, semh):
        wid = lax.axis_index("s") * 2 + lax.axis_index("c")
        pltpu.sync_copy(ibt_h.at[pl.ds(wid * ck_w, ck_w)], ibt_v)
        pltpu.sync_copy(ibh_h.at[pl.ds(wid * rows_w, rows_w)], ibh_v)
        pltpu.async_copy(bh_h.at[ibh_v], vbh_v, semh)

        def fire(k, carry):
            off = pl.multiple_of(k * chunk, chunk)
            dst = vbt_v.at[pl.ds(off, chunk)]
            for s in range(_NSEM):
                @pl.when(k % _NSEM == s)
                def _():
                    pltpu.async_copy(bt_h.at[ibt_v.at[k]], dst, sems[s])
            return carry

        lax.fori_loop(0, ck_w, fire, 0)

        pltpu.make_async_copy(bh_h.at[ibh_v], vbh_v, semh).wait()
        pltpu.sync_copy(vbh_v, outh_h.at[pl.ds(wid * rows_w, rows_w)])

        def drain(k, carry):
            off = pl.multiple_of(k * chunk, chunk)
            dst = vbt_v.at[pl.ds(off, chunk)]
            for s in range(_NSEM):
                @pl.when(k % _NSEM == s)
                def _():
                    pltpu.make_async_copy(bt_h.at[ibt_v.at[k]], dst, sems[s]).wait()
            return carry

        lax.fori_loop(0, ck_w, drain, 0)
        pltpu.sync_copy(vbt_v, out_h.at[pl.ds(wid * n_w, n_w)])

    return run(bt_flat, bh_flat, idx_bt2d, idx_bh)


def kernel(head, relation, tail, positive_sample, negative_sample, bh, bt,
           rel_diag, rel, c_param):
    del relation
    B, NEG, D = tail.shape
    nrel = rel.shape[0]
    f32 = jnp.float32

    headT = jnp.transpose(head.reshape(B, D).astype(f32))
    tailT = jnp.transpose(tail.astype(f32), (1, 2, 0))
    rel_idx = positive_sample[:, 1].astype(jnp.int32).reshape(1, B)
    idx8 = jnp.broadcast_to(rel_idx, (8, B))

    tab = jnp.concatenate(
        [rel[:, :D].astype(f32), rel_diag.astype(f32), c_param.astype(f32),
         jnp.zeros((nrel, D - 1), f32)], axis=1)
    tabT = jnp.transpose(jnp.pad(tab, ((0, _KPAD - nrel), (0, 0))))

    idx_bt = jnp.concatenate(
        [positive_sample[:, 2:3], negative_sample], axis=1).astype(jnp.int32)
    idx_bt2d = idx_bt.reshape(-1, 128)
    idx_bh = positive_sample[:, 0].astype(jnp.int32)

    bias_bt, bias_bh = _sc_gather(bt.reshape(-1).astype(f32),
                                  bh.reshape(-1).astype(f32),
                                  idx_bt2d, idx_bh)
    scores = _tc_scores(idx8, headT, tailT, tabT)
    out = (jnp.transpose(scores) + bias_bh.reshape(B, 1)).reshape(B * NEG, 1)
    return out + bias_bt.reshape(B * NEG, 1)

# --- scband reference (transcript-rebuilt; emitter-appended) ---
"""Pipeline reference for scband-ref-h-reverse-30511447671214 (READ-ONLY COPY).

The authoritative reference and input builder live on the scoring server;
editing this copy changes nothing except your own understanding.
"""

import jax, jax.numpy as jnp
import numpy as np

MIN_NORM = 1e-15
BALL_EPS = 4e-3
B, NEG, D = 4096, 64, 64
NENT, NREL = 1000000, 1000

def _tanh(x):
    return jnp.tanh(jnp.clip(x, -15.0, 15.0))

def _artanh(x):
    x = jnp.clip(x, -1.0 + 1e-5, 1.0 - 1e-5)
    return 0.5 * (jnp.log1p(x) - jnp.log1p(-x))

def _project(x, c):
    norm = jnp.maximum(jnp.linalg.norm(x, axis=-1, keepdims=True), MIN_NORM)
    maxnorm = (1.0 - BALL_EPS) / jnp.sqrt(c)
    return jnp.where(norm > maxnorm, x / norm * maxnorm, x)

def _expmap0(u, c):
    sqrt_c = jnp.sqrt(c)
    u_norm = jnp.maximum(jnp.linalg.norm(u, axis=-1, keepdims=True), MIN_NORM)
    gamma_1 = _tanh(sqrt_c * u_norm) * u / (sqrt_c * u_norm)
    return _project(gamma_1, c)

def _givens_reflection(r, x):
    n = r.shape[0]
    g = r.reshape(n, -1, 2)
    g = g / jnp.maximum(jnp.linalg.norm(g, axis=-1, keepdims=True), 1e-15)
    x = x.reshape(n, -1, 2)
    x_ref = g[:, :, 0:1] * jnp.concatenate((x[:, :, 0:1], -x[:, :, 1:]), axis=-1) + g[:, :, 1:] * jnp.concatenate((x[:, :, 1:], x[:, :, 0:1]), axis=-1)
    return x_ref.reshape(n, -1)

def _mobius_add(x, y, c):
    x2 = jnp.sum(x * x, axis=-1, keepdims=True)
    y2 = jnp.sum(y * y, axis=-1, keepdims=True)
    xy = jnp.sum(x * y, axis=-1, keepdims=True)
    num = (1 + 2 * c * xy + c * y2) * x + (1 - c * x2) * y
    denom = 1 + 2 * c * xy + c ** 2 * x2 * y2
    return num / jnp.maximum(denom, MIN_NORM)

def _hyp_distance_multi_c(x, v, c):
    sqrt_c = jnp.sqrt(c)
    vnorm = jnp.linalg.norm(v, axis=-1, keepdims=True)
    xv = jnp.sum(x * v / vnorm, axis=-1, keepdims=True)
    gamma = _tanh(sqrt_c * vnorm) / sqrt_c
    x2 = jnp.sum(x * x, axis=-1, keepdims=True)
    c1 = 1 - 2 * c * gamma * xv + c * gamma ** 2
    c2 = 1 - c * x2
    num = jnp.sqrt(jnp.maximum(c1 ** 2 * x2 + c2 ** 2 * gamma ** 2 - 2 * c1 * c2 * gamma * xv, 0.0))
    denom = 1 - 2 * c * gamma * xv + c ** 2 * gamma ** 2 * x2
    pairwise_norm = num / jnp.maximum(denom, MIN_NORM)
    dist = _artanh(sqrt_c * pairwise_norm)
    return 2 * dist / sqrt_c

def setup_inputs(seed: int = 0):
    key = jax.random.key(seed)
    ks = jax.random.split(key, 8)
    head = jax.random.normal(ks[0], (B, 1, D), dtype=jnp.float32)
    relation = jax.random.normal(ks[1], (B, 1, D), dtype=jnp.float32)
    tail = jax.random.normal(ks[2], (B, NEG, D), dtype=jnp.float32)
    positive_sample = jax.random.randint(ks[3], (B, 3), 0, NREL)
    negative_sample = jax.random.randint(ks[4], (B, NEG - 1), 0, NENT)
    bh = jnp.zeros((NENT, 1), dtype=jnp.float32)
    bt = jnp.zeros((NENT, 1), dtype=jnp.float32)
    rel_diag = 2.0 * jax.random.uniform(ks[5], (NREL, D), dtype=jnp.float32) - 1.0
    rel = 0.001 * jax.random.normal(ks[6], (NREL, 2 * D), dtype=jnp.float32)
    c_param = jnp.ones((NREL, 1), dtype=jnp.float32)
    return {"head": head, "relation": relation, "tail": tail, "positive_sample": positive_sample, "negative_sample": negative_sample, "bh": bh, "bt": bt, "rel_diag": rel_diag, "rel": rel, "c_param": c_param}

def reference(head, relation, tail, positive_sample, negative_sample, bh, bt, rel_diag, rel, c_param):
    batch = head.shape[0]
    neg = tail.shape[1]
    dim = head.shape[-1]
    head2 = head.reshape(batch, -1)
    tail2 = tail.reshape(batch * neg, -1)
    rel_idx = positive_sample[:, 1]
    c = jax.nn.softplus(c_param[rel_idx])
    rel_half = rel[rel_idx][:, : rel.shape[1] // 2]
    rel_h = _expmap0(rel_half, c)
    lhs = _givens_reflection(rel_diag[rel_idx], head2)
    lhs = _expmap0(lhs, c)
    res = _project(_mobius_add(lhs, rel_h, c), c)
    lhs_biases = bh[positive_sample[:, 0]]
    pos_bt = bt[positive_sample[:, 2]].reshape(-1, 1)
    neg_bt = bt[negative_sample.reshape(-1)].reshape(batch, -1)
    bt_cat = jnp.concatenate((pos_bt, neg_bt), axis=1)
    lhs_e = jnp.broadcast_to(res[:, None, :], (batch, neg, dim)).reshape(-1, dim)
    c_e = jnp.broadcast_to(c[:, None, :], (batch, neg, 1)).reshape(-1, 1)
    score = -_hyp_distance_multi_c(lhs_e, tail2, c_e) ** 2
    expanded_lhs = jnp.tile(lhs_biases, (1, neg)).reshape(-1, 1)
    merged_rhs = bt_cat.reshape(-1, 1)
    return expanded_lhs + merged_rhs + score

if __name__ == "__main__":
    import jax
    _d = setup_inputs()
    print(jax.jit(kernel)(*tuple(_d.values())))

</pallas_src>

<mosaic_0001>
#map = affine_map<(d0, d1) -> (0)>
#map1 = affine_map<(d0, d1) -> (0, 0)>
module attributes {stable_mosaic.version = 14 : i64} {
  func.func @run(%arg0: i32, %arg1: i32, %arg2: memref<1000000xf32, #tpu.memory_space<hbm>>, %arg3: memref<1000000xf32, #tpu.memory_space<hbm>>, %arg4: memref<2048x128xi32, #tpu.memory_space<hbm>>, %arg5: memref<4096xi32, #tpu.memory_space<hbm>>, %arg6: memref<262144xf32, #tpu.memory_space<hbm>>, %arg7: memref<4096xf32, #tpu.memory_space<hbm>>, %arg8: memref<64x128xi32, #tpu.memory_space<vmem>>, %arg9: memref<8192xf32, #tpu.memory_space<vmem>>, %arg10: memref<128xi32, #tpu.memory_space<vmem>>, %arg11: memref<128xf32, #tpu.memory_space<vmem>>, %arg12: memref<!tpu.dma_semaphore, #tpu.memory_space<semaphore_mem>>, %arg13: memref<!tpu.dma_semaphore, #tpu.memory_space<semaphore_mem>>, %arg14: memref<!tpu.dma_semaphore, #tpu.memory_space<semaphore_mem>>, %arg15: memref<!tpu.dma_semaphore, #tpu.memory_space<semaphore_mem>>, %arg16: memref<!tpu.dma_semaphore, #tpu.memory_space<semaphore_mem>>) attributes {dimension_semantics = [#tpu.dimension_semantics<core_parallel>, #tpu.dimension_semantics<subcore_parallel>], iteration_bounds = array<i64: 2, 16>, scalar_prefetch = 0 : i64, scratch_operands = 9 : i64, tpu.core_type = #tpu.core_type<sc_vector_subcore>, window_params = [{transform_indices = #map}, {transform_indices = #map}, {transform_indices = #map1}, {transform_indices = #map}, {transform_indices = #map}, {transform_indices = #map}]} {
    %mul3A = arith.constant 2 : i32
    %mul3A_0 = arith.muli %arg1, %mul3A : i32
    %add3A = arith.addi %mul3A_0, %arg0 : i32
    %mul3A_1 = arith.constant 64 : i32
    %mul3A_2 = arith.muli %add3A, %mul3A_1 : i32
    "tpu.region"() ({
      %run_scoped3A = tpu.sem_alloc : memref<!tpu.dma_semaphore, #tpu.memory_space<semaphore_mem>>
      %dma_start3A_22 = arith.constant 0 : i32
      %dma_start3A_23 = tpu.memref_slice %arg4[%mul3A_2, %dma_start3A_22] : memref<2048x128xi32, #tpu.memory_space<hbm>> -> memref<64x128xi32, #tpu.memory_space<hbm>>
      %dma_start3A_24 = arith.constant 0 : i32
      %dma_start3A_25 = tpu.memref_slice %arg4[%mul3A_2, %dma_start3A_24] : memref<2048x128xi32, #tpu.memory_space<hbm>> -> memref<64x128xi32, #tpu.memory_space<hbm>>
      tpu.enqueue_dma source(%dma_start3A_25 : memref<64x128xi32, #tpu.memory_space<hbm>>) target(%arg8 : memref<64x128xi32, #tpu.memory_space<vmem>>) target_semaphore(%run_scoped3A : memref<!tpu.dma_semaphore, #tpu.memory_space<semaphore_mem>>)
      %dma_wait3A_26 = arith.constant 0 : i32
      %dma_wait3A_27 = tpu.memref_slice %arg4[%mul3A_2, %dma_wait3A_26] : memref<2048x128xi32, #tpu.memory_space<hbm>> -> memref<64x128xi32, #tpu.memory_space<hbm>>
      %dma_wait3A_28 = arith.constant 0 : i32
      %dma_wait3A_29 = tpu.memref_slice %arg4[%mul3A_2, %dma_wait3A_28] : memref<2048x128xi32, #tpu.memory_space<hbm>> -> memref<64x128xi32, #tpu.memory_space<hbm>>
      tpu.wait_dma2 semaphore(%run_scoped3A : memref<!tpu.dma_semaphore, #tpu.memory_space<semaphore_mem>>) src(%dma_wait3A_29 : memref<64x128xi32, #tpu.memory_space<hbm>>) dst(%arg8 : memref<64x128xi32, #tpu.memory_space<vmem>>)
      tpu.yield
    }) : () -> ()
    %mul3A_3 = arith.constant 128 : i32
    %mul3A_4 = arith.muli %add3A, %mul3A_3 : i32
    "tpu.region"() ({
      %run_scoped3A = tpu.sem_alloc : memref<!tpu.dma_semaphore, #tpu.memory_space<semaphore_mem>>
      %dma_start3A_22 = tpu.memref_slice %arg5[%mul3A_4] : memref<4096xi32, #tpu.memory_space<hbm>> -> memref<128xi32, #tpu.memory_space<hbm>>
      %dma_start3A_23 = tpu.memref_slice %arg5[%mul3A_4] : memref<4096xi32, #tpu.memory_space<hbm>> -> memref<128xi32, #tpu.memory_space<hbm>>
      tpu.enqueue_dma source(%dma_start3A_23 : memref<128xi32, #tpu.memory_space<hbm>>) target(%arg10 : memref<128xi32, #tpu.memory_space<vmem>>) target_semaphore(%run_scoped3A : memref<!tpu.dma_semaphore, #tpu.memory_space<semaphore_mem>>)
      %dma_wait3A_24 = tpu.memref_slice %arg5[%mul3A_4] : memref<4096xi32, #tpu.memory_space<hbm>> -> memref<128xi32, #tpu.memory_space<hbm>>
      %dma_wait3A_25 = tpu.memref_slice %arg5[%mul3A_4] : memref<4096xi32, #tpu.memory_space<hbm>> -> memref<128xi32, #tpu.memory_space<hbm>>
      tpu.wait_dma2 semaphore(%run_scoped3A : memref<!tpu.dma_semaphore, #tpu.memory_space<semaphore_mem>>) src(%dma_wait3A_25 : memref<128xi32, #tpu.memory_space<hbm>>) dst(%arg10 : memref<128xi32, #tpu.memory_space<vmem>>)
      tpu.yield
    }) : () -> ()
    %dma_start3A = arith.constant 0 : i32
    %dma_start3A_5 = tpu.memref_slice %arg3[%dma_start3A] : memref<1000000xf32, #tpu.memory_space<hbm>> -> memref<1000000xf32, #tpu.memory_space<hbm>>
    tpu.enqueue_indirect_dma source(%dma_start3A_5 : memref<1000000xf32, #tpu.memory_space<hbm>>) target(%arg11 : memref<128xf32, #tpu.memory_space<vmem>>) offsets(%arg10 : memref<128xi32, #tpu.memory_space<vmem>>) semaphore(%arg16 : memref<!tpu.dma_semaphore, #tpu.memory_space<semaphore_mem>>)
    %scan3A = arith.constant 0 : i32
    %scan3A_6 = arith.constant 0 : i32
    %scan3A_7 = arith.constant 64 : i32
    %scan3A_8 = arith.addi %scan3A_6, %scan3A_7 : i32
    %scan3A_9 = arith.constant 1 : i32
    scf.for %scan3A_22 = %scan3A_6 to %scan3A_8 step %scan3A_9  : i32 {
      %mul3A_23 = arith.constant 128 : i32
      %mul3A_24 = arith.muli %scan3A_22, %mul3A_23 : i32
      %multiple_of3A = tpu.assume_multiple %mul3A_24, 128 : i32
      %jit3A = arith.constant 4 : i32
      %eq3A = arith.constant 0 : i32
      %eq3A_25 = arith.cmpi eq, %jit3A, %eq3A : i32
      %jit3A_26 = arith.constant 1 : i32
      %select_n3A = arith.select %eq3A_25, %jit3A_26, %jit3A : i32
      %rem3A = arith.remsi %scan3A_22, %select_n3A : i32
      %ne3A = arith.constant 0 : i32
      %ne3A_27 = arith.cmpi ne, %rem3A, %ne3A : i32
      %lt3A = arith.constant 0 : i32
      %lt3A_28 = arith.cmpi slt, %rem3A, %lt3A : i32
      %lt3A_29 = arith.constant 0 : i32
      %lt3A_30 = arith.cmpi slt, %select_n3A, %lt3A_29 : i32
      %ne3A_31 = arith.xori %lt3A_28, %lt3A_30 : i1
      %and3A = arith.andi %ne3A_31, %ne3A_27 : i1
      %add3A_32 = arith.addi %rem3A, %select_n3A : i32
      %select_n3A_33 = arith.select %and3A, %add3A_32, %rem3A : i32
      %eq3A_34 = arith.constant 0 : i32
      %eq3A_35 = arith.cmpi eq, %select_n3A_33, %eq3A_34 : i32
      %convert_element_type3A = arith.extui %eq3A_35 : i1 to i32
      %cond3A = arith.constant 0 : i32
      %cond3A_36 = arith.cmpi ne, %convert_element_type3A, %cond3A : i32
      scf.if %cond3A_36 {
        %dma_start3A_100 = tpu.memref_slice %arg9[%multiple_of3A] : memref<8192xf32, #tpu.memory_space<vmem>> -> memref<128xf32, #tpu.memory_space<vmem>>
        %dma_start3A_101 = arith.constant 0 : i32
        %dma_start3A_102 = tpu.memref_slice %arg8[%scan3A_22, %dma_start3A_101] : memref<64x128xi32, #tpu.memory_space<vmem>> -> memref<1x128xi32, #tpu.memory_space<vmem>>
        %dma_start3A_103 = tpu.memref_squeeze %dma_start3A_102 : memref<1x128xi32, #tpu.memory_space<vmem>> -> memref<128xi32, #tpu.memory_space<vmem>>
        %dma_start3A_104 = arith.constant 0 : i32
        %dma_start3A_105 = tpu.memref_slice %arg2[%dma_start3A_104] : memref<1000000xf32, #tpu.memory_space<hbm>> -> memref<1000000xf32, #tpu.memory_space<hbm>>
        tpu.enqueue_indirect_dma source(%dma_start3A_105 : memref<1000000xf32, #tpu.memory_space<hbm>>) target(%dma_start3A_100 : memref<128xf32, #tpu.memory_space<vmem>>) offsets(%dma_start3A_103 : memref<128xi32, #tpu.memory_space<vmem>>) semaphore(%arg12 : memref<!tpu.dma_semaphore, #tpu.memory_space<semaphore_mem>>)
      } else {
      }
      %jit3A_37 = arith.constant 4 : i32
      %eq3A_38 = arith.constant 0 : i32
      %eq3A_39 = arith.cmpi eq, %jit3A_37, %eq3A_38 : i32
      %jit3A_40 = arith.constant 1 : i32
      %select_n3A_41 = arith.select %eq3A_39, %jit3A_40, %jit3A_37 : i32
      %rem3A_42 = arith.remsi %scan3A_22, %select_n3A_41 : i32
      %ne3A_43 = arith.constant 0 : i32
      %ne3A_44 = arith.cmpi ne, %rem3A_42, %ne3A_43 : i32
      %lt3A_45 = arith.constant 0 : i32
      %lt3A_46 = arith.cmpi slt, %rem3A_42, %lt3A_45 : i32
      %lt3A_47 = arith.constant 0 : i32
      %lt3A_48 = arith.cmpi slt, %select_n3A_41, %lt3A_47 : i32
      %ne3A_49 = arith.xori %lt3A_46, %lt3A_48 : i1
      %and3A_50 = arith.andi %ne3A_49, %ne3A_44 : i1
      %add3A_51 = arith.addi %rem3A_42, %select_n3A_41 : i32
      %select_n3A_52 = arith.select %and3A_50, %add3A_51, %rem3A_42 : i32
      %eq3A_53 = arith.constant 1 : i32
      %eq3A_54 = arith.cmpi eq, %select_n3A_52, %eq3A_53 : i32
      %convert_element_type3A_55 = arith.extui %eq3A_54 : i1 to i32
      %cond3A_56 = arith.constant 0 : i32
      %cond3A_57 = arith.cmpi ne, %convert_element_type3A_55, %cond3A_56 : i32
      scf.if %cond3A_57 {
        %dma_start3A_100 = tpu.memref_slice %arg9[%multiple_of3A] : memref<8192xf32, #tpu.memory_space<vmem>> -> memref<128xf32, #tpu.memory_space<vmem>>
        %dma_start3A_101 = arith.constant 0 : i32
        %dma_start3A_102 = tpu.memref_slice %arg8[%scan3A_22, %dma_start3A_101] : memref<64x128xi32, #tpu.memory_space<vmem>> -> memref<1x128xi32, #tpu.memory_space<vmem>>
        %dma_start3A_103 = tpu.memref_squeeze %dma_start3A_102 : memref<1x128xi32, #tpu.memory_space<vmem>> -> memref<128xi32, #tpu.memory_space<vmem>>
        %dma_start3A_104 = arith.constant 0 : i32
        %dma_start3A_105 = tpu.memref_slice %arg2[%dma_start3A_104] : memref<1000000xf32, #tpu.memory_space<hbm>> -> memref<1000000xf32, #tpu.memory_space<hbm>>
        tpu.enqueue_indirect_dma source(%dma_start3A_105 : memref<1000000xf32, #tpu.memory_space<hbm>>) target(%dma_start3A_100 : memref<128xf32, #tpu.memory_space<vmem>>) offsets(%dma_start3A_103 : memref<128xi32, #tpu.memory_space<vmem>>) semaphore(%arg13 : memref<!tpu.dma_semaphore, #tpu.memory_space<semaphore_mem>>)
      } else {
      }
      %jit3A_58 = arith.constant 4 : i32
      %eq3A_59 = arith.constant 0 : i32
      %eq3A_60 = arith.cmpi eq, %jit3A_58, %eq3A_59 : i32
      %jit3A_61 = arith.constant 1 : i32
      %select_n3A_62 = arith.select %eq3A_60, %jit3A_61, %jit3A_58 : i32
      %rem3A_63 = arith.remsi %scan3A_22, %select_n3A_62 : i32
      %ne3A_64 = arith.constant 0 : i32
      %ne3A_65 = arith.cmpi ne, %rem3A_63, %ne3A_64 : i32
      %lt3A_66 = arith.constant 0 : i32
      %lt3A_67 = arith.cmpi slt, %rem3A_63, %lt3A_66 : i32
      %lt3A_68 = arith.constant 0 : i32
      %lt3A_69 = arith.cmpi slt, %select_n3A_62, %lt3A_68 : i32
      %ne3A_70 = arith.xori %lt3A_67, %lt3A_69 : i1
      %and3A_71 = arith.andi %ne3A_70, %ne3A_65 : i1
      %add3A_72 = arith.addi %rem3A_63, %select_n3A_62 : i32
      %select_n3A_73 = arith.select %and3A_71, %add3A_72, %rem3A_63 : i32
      %eq3A_74 = arith.constant 2 : i32
      %eq3A_75 = arith.cmpi eq, %select_n3A_73, %eq3A_74 : i32
      %convert_element_type3A_76 = arith.extui %eq3A_75 : i1 to i32
      %cond3A_77 = arith.constant 0 : i32
      %cond3A_78 = arith.cmpi ne, %convert_element_type3A_76, %cond3A_77 : i32
      scf.if %cond3A_78 {
        %dma_start3A_100 = tpu.memref_slice %arg9[%multiple_of3A] : memref<8192xf32, #tpu.memory_space<vmem>> -> memref<128xf32, #tpu.memory_space<vmem>>
        %dma_start3A_101 = arith.constant 0 : i32
        %dma_start3A_102 = tpu.memref_slice %arg8[%scan3A_22, %dma_start3A_101] : memref<64x128xi32, #tpu.memory_space<vmem>> -> memref<1x128xi32, #tpu.memory_space<vmem>>
        %dma_start3A_103 = tpu.memref_squeeze %dma_start3A_102 : memref<1x128xi32, #tpu.memory_space<vmem>> -> memref<128xi32, #tpu.memory_space<vmem>>
        %dma_start3A_104 = arith.constant 0 : i32
        %dma_start3A_105 = tpu.memref_slice %arg2[%dma_start3A_104] : memref<1000000xf32, #tpu.memory_space<hbm>> -> memref<1000000xf32, #tpu.memory_space<hbm>>
        tpu.enqueue_indirect_dma source(%dma_start3A_105 : memref<1000000xf32, #tpu.memory_space<hbm>>) target(%dma_start3A_100 : memref<128xf32, #tpu.memory_space<vmem>>) offsets(%dma_start3A_103 : memref<128xi32, #tpu.memory_space<vmem>>) semaphore(%arg14 : memref<!tpu.dma_semaphore, #tpu.memory_space<semaphore_mem>>)
      } else {
      }
      %jit3A_79 = arith.constant 4 : i32
      %eq3A_80 = arith.constant 0 : i32
      %eq3A_81 = arith.cmpi eq, %jit3A_79, %eq3A_80 : i32
      %jit3A_82 = arith.constant 1 : i32
      %select_n3A_83 = arith.select %eq3A_81, %jit3A_82, %jit3A_79 : i32
      %rem3A_84 = arith.remsi %scan3A_22, %select_n3A_83 : i32
      %ne3A_85 = arith.constant 0 : i32
      %ne3A_86 = arith.cmpi ne, %rem3A_84, %ne3A_85 : i32
      %lt3A_87 = arith.constant 0 : i32
      %lt3A_88 = arith.cmpi slt, %rem3A_84, %lt3A_87 : i32
      %lt3A_89 = arith.constant 0 : i32
      %lt3A_90 = arith.cmpi slt, %select_n3A_83, %lt3A_89 : i32
      %ne3A_91 = arith.xori %lt3A_88, %lt3A_90 : i1
      %and3A_92 = arith.andi %ne3A_91, %ne3A_86 : i1
      %add3A_93 = arith.addi %rem3A_84, %select_n3A_83 : i32
      %select_n3A_94 = arith.select %and3A_92, %add3A_93, %rem3A_84 : i32
      %eq3A_95 = arith.constant 3 : i32
      %eq3A_96 = arith.cmpi eq, %select_n3A_94, %eq3A_95 : i32
      %convert_element_type3A_97 = arith.extui %eq3A_96 : i1 to i32
      %cond3A_98 = arith.constant 0 : i32
      %cond3A_99 = arith.cmpi ne, %convert_element_type3A_97, %cond3A_98 : i32
      scf.if %cond3A_99 {
        %dma_start3A_100 = tpu.memref_slice %arg9[%multiple_of3A] : memref<8192xf32, #tpu.memory_space<vmem>> -> memref<128xf32, #tpu.memory_space<vmem>>
        %dma_start3A_101 = arith.constant 0 : i32
        %dma_start3A_102 = tpu.memref_slice %arg8[%scan3A_22, %dma_start3A_101] : memref<64x128xi32, #tpu.memory_space<vmem>> -> memref<1x128xi32, #tpu.memory_space<vmem>>
        %dma_start3A_103 = tpu.memref_squeeze %dma_start3A_102 : memref<1x128xi32, #tpu.memory_space<vmem>> -> memref<128xi32, #tpu.memory_space<vmem>>
        %dma_start3A_104 = arith.constant 0 : i32
        %dma_start3A_105 = tpu.memref_slice %arg2[%dma_start3A_104] : memref<1000000xf32, #tpu.memory_space<hbm>> -> memref<1000000xf32, #tpu.memory_space<hbm>>
        tpu.enqueue_indirect_dma source(%dma_start3A_105 : memref<1000000xf32, #tpu.memory_space<hbm>>) target(%dma_start3A_100 : memref<128xf32, #tpu.memory_space<vmem>>) offsets(%dma_start3A_103 : memref<128xi32, #tpu.memory_space<vmem>>) semaphore(%arg15 : memref<!tpu.dma_semaphore, #tpu.memory_space<semaphore_mem>>)
      } else {
      }
    }
    %scan3A_10 = arith.constant 64 : i32
    %dma_wait3A = arith.constant 0 : i32
    %dma_wait3A_11 = tpu.memref_slice %arg3[%dma_wait3A] : memref<1000000xf32, #tpu.memory_space<hbm>> -> memref<1000000xf32, #tpu.memory_space<hbm>>
    tpu.wait_indirect_dma semaphore(%arg16 : memref<!tpu.dma_semaphore, #tpu.memory_space<semaphore_mem>>) src(%dma_wait3A_11 : memref<1000000xf32, #tpu.memory_space<hbm>>) dst(%arg11 : memref<128xf32, #tpu.memory_space<vmem>>)
    %mul3A_12 = arith.constant 128 : i32
    %mul3A_13 = arith.muli %add3A, %mul3A_12 : i32
    "tpu.region"() ({
      %run_scoped3A = tpu.sem_alloc : memref<!tpu.dma_semaphore, #tpu.memory_space<semaphore_mem>>
      %dma_start3A_22 = tpu.memref_slice %arg7[%mul3A_13] : memref<4096xf32, #tpu.memory_space<hbm>> -> memref<128xf32, #tpu.memory_space<hbm>>
      %dma_start3A_23 = tpu.memref_slice %arg7[%mul3A_13] : memref<4096xf32, #tpu.memory_space<hbm>> -> memref<128xf32, #tpu.memory_space<hbm>>
      tpu.enqueue_dma source(%arg11 : memref<128xf32, #tpu.memory_space<vmem>>) target(%dma_start3A_23 : memref<128xf32, #tpu.memory_space<hbm>>) target_semaphore(%run_scoped3A : memref<!tpu.dma_semaphore, #tpu.memory_space<semaphore_mem>>)
      %dma_wait3A_24 = tpu.memref_slice %arg7[%mul3A_13] : memref<4096xf32, #tpu.memory_space<hbm>> -> memref<128xf32, #tpu.memory_space<hbm>>
      %dma_wait3A_25 = tpu.memref_slice %arg7[%mul3A_13] : memref<4096xf32, #tpu.memory_space<hbm>> -> memref<128xf32, #tpu.memory_space<hbm>>
      tpu.wait_dma2 semaphore(%run_scoped3A : memref<!tpu.dma_semaphore, #tpu.memory_space<semaphore_mem>>) src(%arg11 : memref<128xf32, #tpu.memory_space<vmem>>) dst(%dma_wait3A_25 : memref<128xf32, #tpu.memory_space<hbm>>)
      tpu.yield
    }) : () -> ()
    %scan3A_14 = arith.constant 0 : i32
    %scan3A_15 = arith.constant 0 : i32
    %scan3A_16 = arith.constant 64 : i32
    %scan3A_17 = arith.addi %scan3A_15, %scan3A_16 : i32
    %scan3A_18 = arith.constant 1 : i32
    scf.for %scan3A_22 = %scan3A_15 to %scan3A_17 step %scan3A_18  : i32 {
      %mul3A_23 = arith.constant 128 : i32
      %mul3A_24 = arith.muli %scan3A_22, %mul3A_23 : i32
      %multiple_of3A = tpu.assume_multiple %mul3A_24, 128 : i32
      %jit3A = arith.constant 4 : i32
      %eq3A = arith.constant 0 : i32
      %eq3A_25 = arith.cmpi eq, %jit3A, %eq3A : i32
      %jit3A_26 = arith.constant 1 : i32
      %select_n3A = arith.select %eq3A_25, %jit3A_26, %jit3A : i32
      %rem3A = arith.remsi %scan3A_22, %select_n3A : i32
      %ne3A = arith.constant 0 : i32
      %ne3A_27 = arith.cmpi ne, %rem3A, %ne3A : i32
      %lt3A = arith.constant 0 : i32
      %lt3A_28 = arith.cmpi slt, %rem3A, %lt3A : i32
      %lt3A_29 = arith.constant 0 : i32
      %lt3A_30 = arith.cmpi slt, %select_n3A, %lt3A_29 : i32
      %ne3A_31 = arith.xori %lt3A_28, %lt3A_30 : i1
      %and3A = arith.andi %ne3A_31, %ne3A_27 : i1
      %add3A_32 = arith.addi %rem3A, %select_n3A : i32
      %select_n3A_33 = arith.select %and3A, %add3A_32, %rem3A : i32
      %eq3A_34 = arith.constant 0 : i32
      %eq3A_35 = arith.cmpi eq, %select_n3A_33, %eq3A_34 : i32
      %convert_element_type3A = arith.extui %eq3A_35 : i1 to i32
      %cond3A = arith.constant 0 : i32
      %cond3A_36 = arith.cmpi ne, %convert_element_type3A, %cond3A : i32
      scf.if %cond3A_36 {
        %dma_wait3A_100 = tpu.memref_slice %arg9[%multiple_of3A] : memref<8192xf32, #tpu.memory_space<vmem>> -> memref<128xf32, #tpu.memory_space<vmem>>
        %dma_wait3A_101 = arith.constant 0 : i32
        %dma_wait3A_102 = tpu.memref_slice %arg8[%scan3A_22, %dma_wait3A_101] : memref<64x128xi32, #tpu.memory_space<vmem>> -> memref<1x128xi32, #tpu.memory_space<vmem>>
        %dma_wait3A_103 = tpu.memref_squeeze %dma_wait3A_102 : memref<1x128xi32, #tpu.memory_space<vmem>> -> memref<128xi32, #tpu.memory_space<vmem>>
        %dma_wait3A_104 = arith.constant 0 : i32
        %dma_wait3A_105 = tpu.memref_slice %arg2[%dma_wait3A_104] : memref<1000000xf32, #tpu.memory_space<hbm>> -> memref<1000000xf32, #tpu.memory_space<hbm>>
        tpu.wait_indirect_dma semaphore(%arg12 : memref<!tpu.dma_semaphore, #tpu.memory_space<semaphore_mem>>) src(%dma_wait3A_105 : memref<1000000xf32, #tpu.memory_space<hbm>>) dst(%dma_wait3A_100 : memref<128xf32, #tpu.memory_space<vmem>>)
      } else {
      }
      %jit3A_37 = arith.constant 4 : i32
      %eq3A_38 = arith.constant 0 : i32
      %eq3A_39 = arith.cmpi eq, %jit3A_37, %eq3A_38 : i32
      %jit3A_40 = arith.constant 1 : i32
      %select_n3A_41 = arith.select %eq3A_39, %jit3A_40, %jit3A_37 : i32
      %rem3A_42 = arith.remsi %scan3A_22, %select_n3A_41 : i32
      %ne3A_43 = arith.constant 0 : i32
      %ne3A_44 = arith.cmpi ne, %rem3A_42, %ne3A_43 : i32
      %lt3A_45 = arith.constant 0 : i32
      %lt3A_46 = arith.cmpi slt, %rem3A_42, %lt3A_45 : i32
      %lt3A_47 = arith.constant 0 : i32
      %lt3A_48 = arith.cmpi slt, %select_n3A_41, %lt3A_47 : i32
      %ne3A_49 = arith.xori %lt3A_46, %lt3A_48 : i1
      %and3A_50 = arith.andi %ne3A_49, %ne3A_44 : i1
      %add3A_51 = arith.addi %rem3A_42, %select_n3A_41 : i32
      %select_n3A_52 = arith.select %and3A_50, %add3A_51, %rem3A_42 : i32
      %eq3A_53 = arith.constant 1 : i32
      %eq3A_54 = arith.cmpi eq, %select_n3A_52, %eq3A_53 : i32
      %convert_element_type3A_55 = arith.extui %eq3A_54 : i1 to i32
      %cond3A_56 = arith.constant 0 : i32
      %cond3A_57 = arith.cmpi ne, %convert_element_type3A_55, %cond3A_56 : i32
      scf.if %cond3A_57 {
        %dma_wait3A_100 = tpu.memref_slice %arg9[%multiple_of3A] : memref<8192xf32, #tpu.memory_space<vmem>> -> memref<128xf32, #tpu.memory_space<vmem>>
        %dma_wait3A_101 = arith.constant 0 : i32
        %dma_wait3A_102 = tpu.memref_slice %arg8[%scan3A_22, %dma_wait3A_101] : memref<64x128xi32, #tpu.memory_space<vmem>> -> memref<1x128xi32, #tpu.memory_space<vmem>>
        %dma_wait3A_103 = tpu.memref_squeeze %dma_wait3A_102 : memref<1x128xi32, #tpu.memory_space<vmem>> -> memref<128xi32, #tpu.memory_space<vmem>>
        %dma_wait3A_104 = arith.constant 0 : i32
        %dma_wait3A_105 = tpu.memref_slice %arg2[%dma_wait3A_104] : memref<1000000xf32, #tpu.memory_space<hbm>> -> memref<1000000xf32, #tpu.memory_space<hbm>>
        tpu.wait_indirect_dma semaphore(%arg13 : memref<!tpu.dma_semaphore, #tpu.memory_space<semaphore_mem>>) src(%dma_wait3A_105 : memref<1000000xf32, #tpu.memory_space<hbm>>) dst(%dma_wait3A_100 : memref<128xf32, #tpu.memory_space<vmem>>)
      } else {
      }
      %jit3A_58 = arith.constant 4 : i32
      %eq3A_59 = arith.constant 0 : i32
      %eq3A_60 = arith.cmpi eq, %jit3A_58, %eq3A_59 : i32
      %jit3A_61 = arith.constant 1 : i32
      %select_n3A_62 = arith.select %eq3A_60, %jit3A_61, %jit3A_58 : i32
      %rem3A_63 = arith.remsi %scan3A_22, %select_n3A_62 : i32
      %ne3A_64 = arith.constant 0 : i32
      %ne3A_65 = arith.cmpi ne, %rem3A_63, %ne3A_64 : i32
      %lt3A_66 = arith.constant 0 : i32
      %lt3A_67 = arith.cmpi slt, %rem3A_63, %lt3A_66 : i32
      %lt3A_68 = arith.constant 0 : i32
      %lt3A_69 = arith.cmpi slt, %select_n3A_62, %lt3A_68 : i32
      %ne3A_70 = arith.xori %lt3A_67, %lt3A_69 : i1
      %and3A_71 = arith.andi %ne3A_70, %ne3A_65 : i1
      %add3A_72 = arith.addi %rem3A_63, %select_n3A_62 : i32
      %select_n3A_73 = arith.select %and3A_71, %add3A_72, %rem3A_63 : i32
      %eq3A_74 = arith.constant 2 : i32
      %eq3A_75 = arith.cmpi eq, %select_n3A_73, %eq3A_74 : i32
      %convert_element_type3A_76 = arith.extui %eq3A_75 : i1 to i32
      %cond3A_77 = arith.constant 0 : i32
      %cond3A_78 = arith.cmpi ne, %convert_element_type3A_76, %cond3A_77 : i32
      scf.if %cond3A_78 {
        %dma_wait3A_100 = tpu.memref_slice %arg9[%multiple_of3A] : memref<8192xf32, #tpu.memory_space<vmem>> -> memref<128xf32, #tpu.memory_space<vmem>>
        %dma_wait3A_101 = arith.constant 0 : i32
        %dma_wait3A_102 = tpu.memref_slice %arg8[%scan3A_22, %dma_wait3A_101] : memref<64x128xi32, #tpu.memory_space<vmem>> -> memref<1x128xi32, #tpu.memory_space<vmem>>
        %dma_wait3A_103 = tpu.memref_squeeze %dma_wait3A_102 : memref<1x128xi32, #tpu.memory_space<vmem>> -> memref<128xi32, #tpu.memory_space<vmem>>
        %dma_wait3A_104 = arith.constant 0 : i32
        %dma_wait3A_105 = tpu.memref_slice %arg2[%dma_wait3A_104] : memref<1000000xf32, #tpu.memory_space<hbm>> -> memref<1000000xf32, #tpu.memory_space<hbm>>
        tpu.wait_indirect_dma semaphore(%arg14 : memref<!tpu.dma_semaphore, #tpu.memory_space<semaphore_mem>>) src(%dma_wait3A_105 : memref<1000000xf32, #tpu.memory_space<hbm>>) dst(%dma_wait3A_100 : memref<128xf32, #tpu.memory_space<vmem>>)
      } else {
      }
      %jit3A_79 = arith.constant 4 : i32
      %eq3A_80 = arith.constant 0 : i32
      %eq3A_81 = arith.cmpi eq, %jit3A_79, %eq3A_80 : i32
      %jit3A_82 = arith.constant 1 : i32
      %select_n3A_83 = arith.select %eq3A_81, %jit3A_82, %jit3A_79 : i32
      %rem3A_84 = arith.remsi %scan3A_22, %select_n3A_83 : i32
      %ne3A_85 = arith.constant 0 : i32
      %ne3A_86 = arith.cmpi ne, %rem3A_84, %ne3A_85 : i32
      %lt3A_87 = arith.constant 0 : i32
      %lt3A_88 = arith.cmpi slt, %rem3A_84, %lt3A_87 : i32
      %lt3A_89 = arith.constant 0 : i32
      %lt3A_90 = arith.cmpi slt, %select_n3A_83, %lt3A_89 : i32
      %ne3A_91 = arith.xori %lt3A_88, %lt3A_90 : i1
      %and3A_92 = arith.andi %ne3A_91, %ne3A_86 : i1
      %add3A_93 = arith.addi %rem3A_84, %select_n3A_83 : i32
      %select_n3A_94 = arith.select %and3A_92, %add3A_93, %rem3A_84 : i32
      %eq3A_95 = arith.constant 3 : i32
      %eq3A_96 = arith.cmpi eq, %select_n3A_94, %eq3A_95 : i32
      %convert_element_type3A_97 = arith.extui %eq3A_96 : i1 to i32
      %cond3A_98 = arith.constant 0 : i32
      %cond3A_99 = arith.cmpi ne, %convert_element_type3A_97, %cond3A_98 : i32
      scf.if %cond3A_99 {
        %dma_wait3A_100 = tpu.memref_slice %arg9[%multiple_of3A] : memref<8192xf32, #tpu.memory_space<vmem>> -> memref<128xf32, #tpu.memory_space<vmem>>
        %dma_wait3A_101 = arith.constant 0 : i32
        %dma_wait3A_102 = tpu.memref_slice %arg8[%scan3A_22, %dma_wait3A_101] : memref<64x128xi32, #tpu.memory_space<vmem>> -> memref<1x128xi32, #tpu.memory_space<vmem>>
        %dma_wait3A_103 = tpu.memref_squeeze %dma_wait3A_102 : memref<1x128xi32, #tpu.memory_space<vmem>> -> memref<128xi32, #tpu.memory_space<vmem>>
        %dma_wait3A_104 = arith.constant 0 : i32
        %dma_wait3A_105 = tpu.memref_slice %arg2[%dma_wait3A_104] : memref<1000000xf32, #tpu.memory_space<hbm>> -> memref<1000000xf32, #tpu.memory_space<hbm>>
        tpu.wait_indirect_dma semaphore(%arg15 : memref<!tpu.dma_semaphore, #tpu.memory_space<semaphore_mem>>) src(%dma_wait3A_105 : memref<1000000xf32, #tpu.memory_space<hbm>>) dst(%dma_wait3A_100 : memref<128xf32, #tpu.memory_space<vmem>>)
      } else {
      }
    }
    %scan3A_19 = arith.constant 64 : i32
    %mul3A_20 = arith.constant 8192 : i32
    %mul3A_21 = arith.muli %add3A, %mul3A_20 : i32
    "tpu.region"() ({
      %run_scoped3A = tpu.sem_alloc : memref<!tpu.dma_semaphore, #tpu.memory_space<semaphore_mem>>
      %dma_start3A_22 = tpu.memref_slice %arg6[%mul3A_21] : memref<262144xf32, #tpu.memory_space<hbm>> -> memref<8192xf32, #tpu.memory_space<hbm>>
      %dma_start3A_23 = tpu.memref_slice %arg6[%mul3A_21] : memref<262144xf32, #tpu.memory_space<hbm>> -> memref<8192xf32, #tpu.memory_space<hbm>>
      tpu.enqueue_dma source(%arg9 : memref<8192xf32, #tpu.memory_space<vmem>>) target(%dma_start3A_23 : memref<8192xf32, #tpu.memory_space<hbm>>) target_semaphore(%run_scoped3A : memref<!tpu.dma_semaphore, #tpu.memory_space<semaphore_mem>>)
      %dma_wait3A_24 = tpu.memref_slice %arg6[%mul3A_21] : memref<262144xf32, #tpu.memory_space<hbm>> -> memref<8192xf32, #tpu.memory_space<hbm>>
      %dma_wait3A_25 = tpu.memref_slice %arg6[%mul3A_21] : memref<262144xf32, #tpu.memory_space<hbm>> -> memref<8192xf32, #tpu.memory_space<hbm>>
      tpu.wait_dma2 semaphore(%run_scoped3A : memref<!tpu.dma_semaphore, #tpu.memory_space<semaphore_mem>>) src(%arg9 : memref<8192xf32, #tpu.memory_space<vmem>>) dst(%dma_wait3A_25 : memref<8192xf32, #tpu.memory_space<hbm>>)
      tpu.yield
    }) : () -> ()
    return
  }
}

module attributes {stable_mosaic.version = 14 : i64} {
  func.func @_tc_body(%arg0: i32, %arg1: memref<8x512xi32, #tpu.memory_space<vmem>>, %arg2: memref<64x512xf32, #tpu.memory_space<vmem>>, %arg3: memref<64x64x512xf32, #tpu.memory_space<vmem>>, %arg4: memref<192x1024xf32, #tpu.memory_space<vmem>>, %arg5: memref<64x512xf32, #tpu.memory_space<vmem>>) attributes {dimension_semantics = [#tpu.dimension_semantics<arbitrary>], iteration_bounds = array<i64: 8>, scalar_prefetch = 0 : i64, scratch_operands = 0 : i64, tpu.core_type = #tpu.core_type<tc>, window_params = [{transform_indices = @transform_0, window_bounds = array<i64: 8, 512>}, {transform_indices = @transform_1, window_bounds = array<i64: 64, 512>}, {transform_indices = @transform_2, window_bounds = array<i64: 64, 64, 512>}, {pipeline_mode = #tpu.pipeline_mode<synchronous>, transform_indices = @transform_3, window_bounds = array<i64: 192, 1024>}, {transform_indices = @transform_4, window_bounds = array<i64: 64, 512>}]} {
    %get3A = arith.constant 0 : index
    %get3A_0 = arith.constant 0 : index
    %get3A_1 = vector.load %arg1[%get3A, %get3A_0] : memref<8x512xi32, #tpu.memory_space<vmem>>, vector<1x512xi32>
    %get3A_2 = arith.constant 0 : index
    %get3A_3 = arith.constant 0 : index
    %get3A_4 = vector.load %arg2[%get3A_2, %get3A_3] : memref<64x512xf32, #tpu.memory_space<vmem>>, vector<64x512xf32>
    %get3A_5 = arith.constant 0 : index
    %get3A_6 = arith.constant 0 : index
    %get3A_7 = vector.load %arg4[%get3A_5, %get3A_6] : memref<192x1024xf32, #tpu.memory_space<vmem>>, vector<192x1024xf32>
    %iota3A = tpu.iota {dimensions = array<i32: 0>} : vector<1024x512xi32>
    %eq3A = vector.broadcast %get3A_1 : vector<1x512xi32> to vector<1024x512xi32>
    %eq3A_8 = arith.cmpi eq, %iota3A, %eq3A : vector<1024x512xi32>
    %convert_element_type3A = arith.extui %eq3A_8 : vector<1024x512xi1> to vector<1024x512xi32>
    %convert_element_type3A_9 = arith.sitofp %convert_element_type3A : vector<1024x512xi32> to vector<1024x512xf32>
    %dot_general3A = arith.constant dense<0.000000e+00> : vector<192x512xf32>
    %dot_general3A_10 = tpu.matmul %get3A_7, %convert_element_type3A_9, %dot_general3A {dimension_numbers = #tpu.dot_dimension_numbers<[1], [0], [0], [1], [0, 0, 1, 1], [], []>, transpose_lhs_hint = false} : vector<192x1024xf32>, vector<1024x512xf32>, vector<192x512xf32> -> vector<192x512xf32>
    %slice3A = vector.extract_strided_slice %dot_general3A_10 {offsets = [0, 0], sizes = [64, 512], strides = [1, 1]} : vector<192x512xf32> to vector<64x512xf32>
    %slice3A_11 = vector.extract_strided_slice %dot_general3A_10 {offsets = [64, 0], sizes = [64, 512], strides = [1, 1]} : vector<192x512xf32> to vector<64x512xf32>
    %slice3A_12 = vector.extract_strided_slice %dot_general3A_10 {offsets = [128, 0], sizes = [1, 512], strides = [1, 1]} : vector<192x512xf32> to vector<1x512xf32>
    %max3A = arith.constant 0.000000e+00 : f32
    %max3A_13 = vector.broadcast %max3A : f32 to vector<1x512xf32>
    %max3A_14 = arith.maximumf %slice3A_12, %max3A_13 : vector<1x512xf32>
    %abs3A = math.absf %slice3A_12 : vector<1x512xf32>
    %neg3A = arith.constant 0.000000e+00 : f32
    %neg3A_15 = vector.broadcast %neg3A : f32 to vector<1x512xf32>
    %neg3A_16 = arith.subf %neg3A_15, %abs3A : vector<1x512xf32>
    %exp3A = math.exp %neg3A_16 : vector<1x512xf32>
    %add3A = arith.constant 1.000000e+00 : f32
    %add3A_17 = vector.broadcast %add3A : f32 to vector<1x512xf32>
    %add3A_18 = arith.addf %add3A_17, %exp3A : vector<1x512xf32>
    %log3A = math.log %add3A_18 : vector<1x512xf32>
    %add3A_19 = arith.addf %max3A_14, %log3A : vector<1x512xf32>
    %sqrt3A = math.sqrt %add3A_19 : vector<1x512xf32>
    %iota3A_20 = tpu.iota {dimensions = array<i32: 0>} : vector<64x64xi32>
    %iota3A_21 = tpu.iota {dimensions = array<i32: 1>} : vector<64x64xi32>
    %xor3A = arith.constant 1 : i32
    %xor3A_22 = vector.broadcast %xor3A : i32 to vector<64x64xi32>
    %xor3A_23 = arith.xori %iota3A_21, %xor3A_22 : vector<64x64xi32>
    %eq3A_24 = arith.cmpi eq, %iota3A_20, %xor3A_23 : vector<64x64xi32>
    %convert_element_type3A_25 = arith.extui %eq3A_24 : vector<64x64xi1> to vector<64x64xi32>
    %convert_element_type3A_26 = arith.sitofp %convert_element_type3A_25 : vector<64x64xi32> to vector<64x64xf32>
    %iota3A_27 = tpu.iota {dimensions = array<i32: 0>} : vector<64x512xi32>
    %and3A = arith.constant 1 : i32
    %and3A_28 = vector.broadcast %and3A : i32 to vector<64x512xi32>
    %and3A_29 = arith.andi %iota3A_27, %and3A_28 : vector<64x512xi32>
    %eq3A_30 = arith.constant 0 : i32
    %eq3A_31 = vector.broadcast %eq3A_30 : i32 to vector<64x512xi32>
    %eq3A_32 = arith.cmpi eq, %and3A_29, %eq3A_31 : vector<64x512xi32>
    %dot_general3A_33 = arith.constant dense<0.000000e+00> : vector<64x512xf32>
    %dot_general3A_34 = tpu.matmul %convert_element_type3A_26, %slice3A_11, %dot_general3A_33 {dimension_numbers = #tpu.dot_dimension_numbers<[1], [0], [0], [1], [0, 0, 1, 1], [], []>, transpose_lhs_hint = false} : vector<64x64xf32>, vector<64x512xf32>, vector<64x512xf32> -> vector<64x512xf32>
    %mul3A = arith.mulf %slice3A_11, %slice3A_11 : vector<64x512xf32>
    %mul3A_35 = arith.mulf %dot_general3A_34, %dot_general3A_34 : vector<64x512xf32>
    %add3A_36 = arith.addf %mul3A, %mul3A_35 : vector<64x512xf32>
    %sqrt3A_37 = math.sqrt %add3A_36 : vector<64x512xf32>
    %max3A_38 = arith.constant 1.000000e-15 : f32
    %max3A_39 = vector.broadcast %max3A_38 : f32 to vector<64x512xf32>
    %max3A_40 = arith.maximumf %sqrt3A_37, %max3A_39 : vector<64x512xf32>
    %div3A = arith.divf %slice3A_11, %max3A_40 : vector<64x512xf32>
    %dot_general3A_41 = arith.constant dense<0.000000e+00> : vector<64x512xf32>
    %dot_general3A_42 = tpu.matmul %convert_element_type3A_26, %div3A, %dot_general3A_41 {dimension_numbers = #tpu.dot_dimension_numbers<[1], [0], [0], [1], [0, 0, 1, 1], [], []>, transpose_lhs_hint = false} : vector<64x64xf32>, vector<64x512xf32>, vector<64x512xf32> -> vector<64x512xf32>
    %dot_general3A_43 = arith.constant dense<0.000000e+00> : vector<64x512xf32>
    %dot_general3A_44 = tpu.matmul %convert_element_type3A_26, %get3A_4, %dot_general3A_43 {dimension_numbers = #tpu.dot_dimension_numbers<[1], [0], [0], [1], [0, 0, 1, 1], [], []>, transpose_lhs_hint = false} : vector<64x64xf32>, vector<64x512xf32>, vector<64x512xf32> -> vector<64x512xf32>
    %mul3A_45 = arith.mulf %div3A, %get3A_4 : vector<64x512xf32>
    %mul3A_46 = arith.mulf %dot_general3A_42, %dot_general3A_44 : vector<64x512xf32>
    %add3A_47 = arith.addf %mul3A_45, %mul3A_46 : vector<64x512xf32>
    %mul3A_48 = arith.mulf %div3A, %dot_general3A_44 : vector<64x512xf32>
    %mul3A_49 = arith.mulf %dot_general3A_42, %get3A_4 : vector<64x512xf32>
    %sub3A = arith.subf %mul3A_48, %mul3A_49 : vector<64x512xf32>
    %select_n3A = arith.select %eq3A_32, %add3A_47, %sub3A : vector<64x512xi1>, vector<64x512xf32>
    %mul3A_50 = arith.mulf %select_n3A, %select_n3A : vector<64x512xf32>
    %reduce_sum3A = arith.constant dense<0.000000e+00> : vector<512xf32>
    %reduce_sum3A_51 = vector.multi_reduction <add>, %mul3A_50, %reduce_sum3A [0] : vector<64x512xf32> to vector<512xf32>
    %broadcast_in_dim3A = vector.shape_cast %reduce_sum3A_51 : vector<512xf32> to vector<1x512xf32>
    %sqrt3A_52 = math.sqrt %broadcast_in_dim3A : vector<1x512xf32>
    %max3A_53 = arith.constant 1.000000e-15 : f32
    %max3A_54 = vector.broadcast %max3A_53 : f32 to vector<1x512xf32>
    %max3A_55 = arith.maximumf %sqrt3A_52, %max3A_54 : vector<1x512xf32>
    %mul3A_56 = arith.mulf %sqrt3A, %max3A_55 : vector<1x512xf32>
    %jit3A = arith.constant -1.500000e+01 : f32
    %jit3A_57 = arith.constant 1.500000e+01 : f32
    %max3A_58 = vector.broadcast %jit3A : f32 to vector<1x512xf32>
    %max3A_59 = arith.maximumf %max3A_58, %mul3A_56 : vector<1x512xf32>
    %min3A = vector.broadcast %jit3A_57 : f32 to vector<1x512xf32>
    %min3A_60 = arith.minimumf %min3A, %max3A_59 : vector<1x512xf32>
    %tanh3A = math.tanh %min3A_60 : vector<1x512xf32>
    %mul3A_61 = vector.broadcast %tanh3A : vector<1x512xf32> to vector<64x512xf32>
    %mul3A_62 = arith.mulf %mul3A_61, %select_n3A : vector<64x512xf32>
    %mul3A_63 = arith.mulf %sqrt3A, %max3A_55 : vector<1x512xf32>
    %div3A_64 = vector.broadcast %mul3A_63 : vector<1x512xf32> to vector<64x512xf32>
    %div3A_65 = arith.divf %mul3A_62, %div3A_64 : vector<64x512xf32>
    %mul3A_66 = arith.mulf %div3A_65, %div3A_65 : vector<64x512xf32>
    %reduce_sum3A_67 = arith.constant dense<0.000000e+00> : vector<512xf32>
    %reduce_sum3A_68 = vector.multi_reduction <add>, %mul3A_66, %reduce_sum3A_67 [0] : vector<64x512xf32> to vector<512xf32>
    %broadcast_in_dim3A_69 = vector.shape_cast %reduce_sum3A_68 : vector<512xf32> to vector<1x512xf32>
    %sqrt3A_70 = math.sqrt %broadcast_in_dim3A_69 : vector<1x512xf32>
    %max3A_71 = arith.constant 1.000000e-15 : f32
    %max3A_72 = vector.broadcast %max3A_71 : f32 to vector<1x512xf32>
    %max3A_73 = arith.maximumf %sqrt3A_70, %max3A_72 : vector<1x512xf32>
    %div3A_74 = arith.constant 0.995999991 : f32
    %div3A_75 = vector.broadcast %div3A_74 : f32 to vector<1x512xf32>
    %div3A_76 = arith.divf %div3A_75, %sqrt3A : vector<1x512xf32>
    %gt3A = arith.cmpf ogt, %max3A_73, %div3A_76 : vector<1x512xf32>
    %div3A_77 = vector.broadcast %max3A_73 : vector<1x512xf32> to vector<64x512xf32>
    %div3A_78 = arith.divf %div3A_65, %div3A_77 : vector<64x512xf32>
    %mul3A_79 = vector.broadcast %div3A_76 : vector<1x512xf32> to vector<64x512xf32>
    %mul3A_80 = arith.mulf %div3A_78, %mul3A_79 : vector<64x512xf32>
    %broadcast_in_dim3A_81 = vector.shape_cast %gt3A : vector<1x512xi1> to vector<1x512xi1>
    %broadcast_in_dim3A_82 = vector.broadcast %broadcast_in_dim3A_81 : vector<1x512xi1> to vector<64x512xi1>
    %select_n3A_83 = arith.select %broadcast_in_dim3A_82, %mul3A_80, %div3A_65 : vector<64x512xi1>, vector<64x512xf32>
    %mul3A_84 = arith.mulf %slice3A, %slice3A : vector<64x512xf32>
    %reduce_sum3A_85 = arith.constant dense<0.000000e+00> : vector<512xf32>
    %reduce_sum3A_86 = vector.multi_reduction <add>, %mul3A_84, %reduce_sum3A_85 [0] : vector<64x512xf32> to vector<512xf32>
    %broadcast_in_dim3A_87 = vector.shape_cast %reduce_sum3A_86 : vector<512xf32> to vector<1x512xf32>
    %sqrt3A_88 = math.sqrt %broadcast_in_dim3A_87 : vector<1x512xf32>
    %max3A_89 = arith.constant 1.000000e-15 : f32
    %max3A_90 = vector.broadcast %max3A_89 : f32 to vector<1x512xf32>
    %max3A_91 = arith.maximumf %sqrt3A_88, %max3A_90 : vector<1x512xf32>
    %mul3A_92 = arith.mulf %sqrt3A, %max3A_91 : vector<1x512xf32>
    %jit3A_93 = arith.constant -1.500000e+01 : f32
    %jit3A_94 = arith.constant 1.500000e+01 : f32
    %max3A_95 = vector.broadcast %jit3A_93 : f32 to vector<1x512xf32>
    %max3A_96 = arith.maximumf %max3A_95, %mul3A_92 : vector<1x512xf32>
    %min3A_97 = vector.broadcast %jit3A_94 : f32 to vector<1x512xf32>
    %min3A_98 = arith.minimumf %min3A_97, %max3A_96 : vector<1x512xf32>
    %tanh3A_99 = math.tanh %min3A_98 : vector<1x512xf32>
    %mul3A_100 = vector.broadcast %tanh3A_99 : vector<1x512xf32> to vector<64x512xf32>
    %mul3A_101 = arith.mulf %mul3A_100, %slice3A : vector<64x512xf32>
    %mul3A_102 = arith.mulf %sqrt3A, %max3A_91 : vector<1x512xf32>
    %div3A_103 = vector.broadcast %mul3A_102 : vector<1x512xf32> to vector<64x512xf32>
    %div3A_104 = arith.divf %mul3A_101, %div3A_103 : vector<64x512xf32>
    %mul3A_105 = arith.mulf %div3A_104, %div3A_104 : vector<64x512xf32>
    %reduce_sum3A_106 = arith.constant dense<0.000000e+00> : vector<512xf32>
    %reduce_sum3A_107 = vector.multi_reduction <add>, %mul3A_105, %reduce_sum3A_106 [0] : vector<64x512xf32> to vector<512xf32>
    %broadcast_in_dim3A_108 = vector.shape_cast %reduce_sum3A_107 : vector<512xf32> to vector<1x512xf32>
    %sqrt3A_109 = math.sqrt %broadcast_in_dim3A_108 : vector<1x512xf32>
    %max3A_110 = arith.constant 1.000000e-15 : f32
    %max3A_111 = vector.broadcast %max3A_110 : f32 to vector<1x512xf32>
    %max3A_112 = arith.maximumf %sqrt3A_109, %max3A_111 : vector<1x512xf32>
    %div3A_113 = arith.constant 0.995999991 : f32
    %div3A_114 = vector.broadcast %div3A_113 : f32 to vector<1x512xf32>
    %div3A_115 = arith.divf %div3A_114, %sqrt3A : vector<1x512xf32>
    %gt3A_116 = arith.cmpf ogt, %max3A_112, %div3A_115 : vector<1x512xf32>
    %div3A_117 = vector.broadcast %max3A_112 : vector<1x512xf32> to vector<64x512xf32>
    %div3A_118 = arith.divf %div3A_104, %div3A_117 : vector<64x512xf32>
    %mul3A_119 = vector.broadcast %div3A_115 : vector<1x512xf32> to vector<64x512xf32>
    %mul3A_120 = arith.mulf %div3A_118, %mul3A_119 : vector<64x512xf32>
    %broadcast_in_dim3A_121 = vector.shape_cast %gt3A_116 : vector<1x512xi1> to vector<1x512xi1>
    %broadcast_in_dim3A_122 = vector.broadcast %broadcast_in_dim3A_121 : vector<1x512xi1> to vector<64x512xi1>
    %select_n3A_123 = arith.select %broadcast_in_dim3A_122, %mul3A_120, %div3A_104 : vector<64x512xi1>, vector<64x512xf32>
    %mul3A_124 = arith.mulf %select_n3A_83, %select_n3A_83 : vector<64x512xf32>
    %reduce_sum3A_125 = arith.constant dense<0.000000e+00> : vector<512xf32>
    %reduce_sum3A_126 = vector.multi_reduction <add>, %mul3A_124, %reduce_sum3A_125 [0] : vector<64x512xf32> to vector<512xf32>
    %broadcast_in_dim3A_127 = vector.shape_cast %reduce_sum3A_126 : vector<512xf32> to vector<1x512xf32>
    %mul3A_128 = arith.mulf %select_n3A_123, %select_n3A_123 : vector<64x512xf32>
    %reduce_sum3A_129 = arith.constant dense<0.000000e+00> : vector<512xf32>
    %reduce_sum3A_130 = vector.multi_reduction <add>, %mul3A_128, %reduce_sum3A_129 [0] : vector<64x512xf32> to vector<512xf32>
    %broadcast_in_dim3A_131 = vector.shape_cast %reduce_sum3A_130 : vector<512xf32> to vector<1x512xf32>
    %mul3A_132 = arith.mulf %select_n3A_83, %select_n3A_123 : vector<64x512xf32>
    %reduce_sum3A_133 = arith.constant dense<0.000000e+00> : vector<512xf32>
    %reduce_sum3A_134 = vector.multi_reduction <add>, %mul3A_132, %reduce_sum3A_133 [0] : vector<64x512xf32> to vector<512xf32>
    %broadcast_in_dim3A_135 = vector.shape_cast %reduce_sum3A_134 : vector<512xf32> to vector<1x512xf32>
    %mul3A_136 = arith.constant 2.000000e+00 : f32
    %mul3A_137 = vector.broadcast %mul3A_136 : f32 to vector<1x512xf32>
    %mul3A_138 = arith.mulf %mul3A_137, %add3A_19 : vector<1x512xf32>
    %mul3A_139 = arith.mulf %mul3A_138, %broadcast_in_dim3A_135 : vector<1x512xf32>
    %add3A_140 = arith.constant 1.000000e+00 : f32
    %add3A_141 = vector.broadcast %add3A_140 : f32 to vector<1x512xf32>
    %add3A_142 = arith.addf %add3A_141, %mul3A_139 : vector<1x512xf32>
    %mul3A_143 = arith.mulf %add3A_19, %broadcast_in_dim3A_131 : vector<1x512xf32>
    %add3A_144 = arith.addf %add3A_142, %mul3A_143 : vector<1x512xf32>
    %mul3A_145 = vector.broadcast %add3A_144 : vector<1x512xf32> to vector<64x512xf32>
    %mul3A_146 = arith.mulf %mul3A_145, %select_n3A_83 : vector<64x512xf32>
    %mul3A_147 = arith.mulf %add3A_19, %broadcast_in_dim3A_127 : vector<1x512xf32>
    %sub3A_148 = arith.constant 1.000000e+00 : f32
    %sub3A_149 = vector.broadcast %sub3A_148 : f32 to vector<1x512xf32>
    %sub3A_150 = arith.subf %sub3A_149, %mul3A_147 : vector<1x512xf32>
    %mul3A_151 = vector.broadcast %sub3A_150 : vector<1x512xf32> to vector<64x512xf32>
    %mul3A_152 = arith.mulf %mul3A_151, %select_n3A_123 : vector<64x512xf32>
    %add3A_153 = arith.addf %mul3A_146, %mul3A_152 : vector<64x512xf32>
    %mul3A_154 = arith.constant 2.000000e+00 : f32
    %mul3A_155 = vector.broadcast %mul3A_154 : f32 to vector<1x512xf32>
    %mul3A_156 = arith.mulf %mul3A_155, %add3A_19 : vector<1x512xf32>
    %mul3A_157 = arith.mulf %mul3A_156, %broadcast_in_dim3A_135 : vector<1x512xf32>
    %add3A_158 = arith.constant 1.000000e+00 : f32
    %add3A_159 = vector.broadcast %add3A_158 : f32 to vector<1x512xf32>
    %add3A_160 = arith.addf %add3A_159, %mul3A_157 : vector<1x512xf32>
    %mul3A_161 = arith.mulf %add3A_19, %add3A_19 : vector<1x512xf32>
    %mul3A_162 = arith.mulf %mul3A_161, %broadcast_in_dim3A_127 : vector<1x512xf32>
    %mul3A_163 = arith.mulf %mul3A_162, %broadcast_in_dim3A_131 : vector<1x512xf32>
    %add3A_164 = arith.addf %add3A_160, %mul3A_163 : vector<1x512xf32>
    %max3A_165 = arith.constant 1.000000e-15 : f32
    %max3A_166 = vector.broadcast %max3A_165 : f32 to vector<1x512xf32>
    %max3A_167 = arith.maximumf %add3A_164, %max3A_166 : vector<1x512xf32>
    %div3A_168 = vector.broadcast %max3A_167 : vector<1x512xf32> to vector<64x512xf32>
    %div3A_169 = arith.divf %add3A_153, %div3A_168 : vector<64x512xf32>
    %mul3A_170 = arith.mulf %div3A_169, %div3A_169 : vector<64x512xf32>
    %reduce_sum3A_171 = arith.constant dense<0.000000e+00> : vector<512xf32>
    %reduce_sum3A_172 = vector.multi_reduction <add>, %mul3A_170, %reduce_sum3A_171 [0] : vector<64x512xf32> to vector<512xf32>
    %broadcast_in_dim3A_173 = vector.shape_cast %reduce_sum3A_172 : vector<512xf32> to vector<1x512xf32>
    %sqrt3A_174 = math.sqrt %broadcast_in_dim3A_173 : vector<1x512xf32>
    %max3A_175 = arith.constant 1.000000e-15 : f32
    %max3A_176 = vector.broadcast %max3A_175 : f32 to vector<1x512xf32>
    %max3A_177 = arith.maximumf %sqrt3A_174, %max3A_176 : vector<1x512xf32>
    %div3A_178 = arith.constant 0.995999991 : f32
    %div3A_179 = vector.broadcast %div3A_178 : f32 to vector<1x512xf32>
    %div3A_180 = arith.divf %div3A_179, %sqrt3A : vector<1x512xf32>
    %gt3A_181 = arith.cmpf ogt, %max3A_177, %div3A_180 : vector<1x512xf32>
    %div3A_182 = vector.broadcast %max3A_177 : vector<1x512xf32> to vector<64x512xf32>
    %div3A_183 = arith.divf %div3A_169, %div3A_182 : vector<64x512xf32>
    %mul3A_184 = vector.broadcast %div3A_180 : vector<1x512xf32> to vector<64x512xf32>
    %mul3A_185 = arith.mulf %div3A_183, %mul3A_184 : vector<64x512xf32>
    %broadcast_in_dim3A_186 = vector.shape_cast %gt3A_181 : vector<1x512xi1> to vector<1x512xi1>
    %broadcast_in_dim3A_187 = vector.broadcast %broadcast_in_dim3A_186 : vector<1x512xi1> to vector<64x512xi1>
    %select_n3A_188 = arith.select %broadcast_in_dim3A_187, %mul3A_185, %div3A_169 : vector<64x512xi1>, vector<64x512xf32>
    %get3A_189 = arith.constant 0 : index
    %get3A_190 = arith.constant 0 : index
    %get3A_191 = arith.constant 0 : index
    %get3A_192 = vector.load %arg3[%get3A_189, %get3A_190, %get3A_191] : memref<64x64x512xf32, #tpu.memory_space<vmem>>, vector<64x64x512xf32>
    %mul3A_193 = arith.mulf %get3A_192, %get3A_192 : vector<64x64x512xf32>
    %reduce_sum3A_194 = arith.constant dense<0.000000e+00> : vector<64x512xf32>
    %reduce_sum3A_195 = vector.multi_reduction <add>, %mul3A_193, %reduce_sum3A_194 [1] : vector<64x64x512xf32> to vector<64x512xf32>
    %sqrt3A_196 = math.sqrt %reduce_sum3A_195 : vector<64x512xf32>
    %broadcast_in_dim3A_197 = vector.shape_cast %select_n3A_188 : vector<64x512xf32> to vector<1x64x512xf32>
    %mul3A_198 = vector.broadcast %broadcast_in_dim3A_197 : vector<1x64x512xf32> to vector<64x64x512xf32>
    %mul3A_199 = arith.mulf %mul3A_198, %get3A_192 : vector<64x64x512xf32>
    %reduce_sum3A_200 = arith.constant dense<0.000000e+00> : vector<64x512xf32>
    %reduce_sum3A_201 = vector.multi_reduction <add>, %mul3A_199, %reduce_sum3A_200 [1] : vector<64x64x512xf32> to vector<64x512xf32>
    %div3A_202 = arith.divf %reduce_sum3A_201, %sqrt3A_196 : vector<64x512xf32>
    %mul3A_203 = arith.mulf %select_n3A_188, %select_n3A_188 : vector<64x512xf32>
    %reduce_sum3A_204 = arith.constant dense<0.000000e+00> : vector<512xf32>
    %reduce_sum3A_205 = vector.multi_reduction <add>, %mul3A_203, %reduce_sum3A_204 [0] : vector<64x512xf32> to vector<512xf32>
    %broadcast_in_dim3A_206 = vector.shape_cast %reduce_sum3A_205 : vector<512xf32> to vector<1x512xf32>
    %mul3A_207 = vector.broadcast %sqrt3A : vector<1x512xf32> to vector<64x512xf32>
    %mul3A_208 = arith.mulf %mul3A_207, %sqrt3A_196 : vector<64x512xf32>
    %jit3A_209 = arith.constant -1.500000e+01 : f32
    %jit3A_210 = arith.constant 1.500000e+01 : f32
    %max3A_211 = vector.broadcast %jit3A_209 : f32 to vector<64x512xf32>
    %max3A_212 = arith.maximumf %max3A_211, %mul3A_208 : vector<64x512xf32>
    %min3A_213 = vector.broadcast %jit3A_210 : f32 to vector<64x512xf32>
    %min3A_214 = arith.minimumf %min3A_213, %max3A_212 : vector<64x512xf32>
    %tanh3A_215 = math.tanh %min3A_214 : vector<64x512xf32>
    %div3A_216 = vector.broadcast %sqrt3A : vector<1x512xf32> to vector<64x512xf32>
    %div3A_217 = arith.divf %tanh3A_215, %div3A_216 : vector<64x512xf32>
    %mul3A_218 = arith.constant 2.000000e+00 : f32
    %mul3A_219 = vector.broadcast %mul3A_218 : f32 to vector<1x512xf32>
    %mul3A_220 = arith.mulf %mul3A_219, %add3A_19 : vector<1x512xf32>
    %mul3A_221 = vector.broadcast %mul3A_220 : vector<1x512xf32> to vector<64x512xf32>
    %mul3A_222 = arith.mulf %mul3A_221, %div3A_217 : vector<64x512xf32>
    %mul3A_223 = arith.mulf %mul3A_222, %div3A_202 : vector<64x512xf32>
    %sub3A_224 = arith.constant 1.000000e+00 : f32
    %sub3A_225 = vector.broadcast %sub3A_224 : f32 to vector<64x512xf32>
    %sub3A_226 = arith.subf %sub3A_225, %mul3A_223 : vector<64x512xf32>
    %mul3A_227 = vector.broadcast %add3A_19 : vector<1x512xf32> to vector<64x512xf32>
    %mul3A_228 = arith.mulf %mul3A_227, %div3A_217 : vector<64x512xf32>
    %mul3A_229 = arith.mulf %mul3A_228, %div3A_217 : vector<64x512xf32>
    %add3A_230 = arith.addf %sub3A_226, %mul3A_229 : vector<64x512xf32>
    %mul3A_231 = arith.mulf %add3A_19, %broadcast_in_dim3A_206 : vector<1x512xf32>
    %sub3A_232 = arith.constant 1.000000e+00 : f32
    %sub3A_233 = vector.broadcast %sub3A_232 : f32 to vector<1x512xf32>
    %sub3A_234 = arith.subf %sub3A_233, %mul3A_231 : vector<1x512xf32>
    %mul3A_235 = arith.mulf %add3A_230, %add3A_230 : vector<64x512xf32>
    %mul3A_236 = vector.broadcast %broadcast_in_dim3A_206 : vector<1x512xf32> to vector<64x512xf32>
    %mul3A_237 = arith.mulf %mul3A_235, %mul3A_236 : vector<64x512xf32>
    %mul3A_238 = arith.mulf %sub3A_234, %sub3A_234 : vector<1x512xf32>
    %mul3A_239 = vector.broadcast %mul3A_238 : vector<1x512xf32> to vector<64x512xf32>
    %mul3A_240 = arith.mulf %mul3A_239, %div3A_217 : vector<64x512xf32>
    %mul3A_241 = arith.mulf %mul3A_240, %div3A_217 : vector<64x512xf32>
    %add3A_242 = arith.addf %mul3A_237, %mul3A_241 : vector<64x512xf32>
    %mul3A_243 = arith.constant 2.000000e+00 : f32
    %mul3A_244 = vector.broadcast %mul3A_243 : f32 to vector<64x512xf32>
    %mul3A_245 = arith.mulf %mul3A_244, %add3A_230 : vector<64x512xf32>
    %mul3A_246 = vector.broadcast %sub3A_234 : vector<1x512xf32> to vector<64x512xf32>
    %mul3A_247 = arith.mulf %mul3A_245, %mul3A_246 : vector<64x512xf32>
    %mul3A_248 = arith.mulf %mul3A_247, %div3A_217 : vector<64x512xf32>
    %mul3A_249 = arith.mulf %mul3A_248, %div3A_202 : vector<64x512xf32>
    %sub3A_250 = arith.subf %add3A_242, %mul3A_249 : vector<64x512xf32>
    %max3A_251 = arith.constant 0.000000e+00 : f32
    %max3A_252 = vector.broadcast %max3A_251 : f32 to vector<64x512xf32>
    %max3A_253 = arith.maximumf %sub3A_250, %max3A_252 : vector<64x512xf32>
    %sqrt3A_254 = math.sqrt %max3A_253 : vector<64x512xf32>
    %mul3A_255 = arith.constant 2.000000e+00 : f32
    %mul3A_256 = vector.broadcast %mul3A_255 : f32 to vector<1x512xf32>
    %mul3A_257 = arith.mulf %mul3A_256, %add3A_19 : vector<1x512xf32>
    %mul3A_258 = vector.broadcast %mul3A_257 : vector<1x512xf32> to vector<64x512xf32>
    %mul3A_259 = arith.mulf %mul3A_258, %div3A_217 : vector<64x512xf32>
    %mul3A_260 = arith.mulf %mul3A_259, %div3A_202 : vector<64x512xf32>
    %sub3A_261 = arith.constant 1.000000e+00 : f32
    %sub3A_262 = vector.broadcast %sub3A_261 : f32 to vector<64x512xf32>
    %sub3A_263 = arith.subf %sub3A_262, %mul3A_260 : vector<64x512xf32>
    %mul3A_264 = arith.mulf %add3A_19, %add3A_19 : vector<1x512xf32>
    %mul3A_265 = arith.mulf %div3A_217, %div3A_217 : vector<64x512xf32>
    %mul3A_266 = vector.broadcast %mul3A_264 : vector<1x512xf32> to vector<64x512xf32>
    %mul3A_267 = arith.mulf %mul3A_266, %mul3A_265 : vector<64x512xf32>
    %mul3A_268 = vector.broadcast %broadcast_in_dim3A_206 : vector<1x512xf32> to vector<64x512xf32>
    %mul3A_269 = arith.mulf %mul3A_267, %mul3A_268 : vector<64x512xf32>
    %add3A_270 = arith.addf %sub3A_263, %mul3A_269 : vector<64x512xf32>
    %max3A_271 = arith.constant 1.000000e-15 : f32
    %max3A_272 = vector.broadcast %max3A_271 : f32 to vector<64x512xf32>
    %max3A_273 = arith.maximumf %add3A_270, %max3A_272 : vector<64x512xf32>
    %div3A_274 = arith.divf %sqrt3A_254, %max3A_273 : vector<64x512xf32>
    %mul3A_275 = vector.broadcast %sqrt3A : vector<1x512xf32> to vector<64x512xf32>
    %mul3A_276 = arith.mulf %mul3A_275, %div3A_274 : vector<64x512xf32>
    %jit3A_277 = arith.constant -0.999989986 : f32
    %jit3A_278 = arith.constant 0.999989986 : f32
    %max3A_279 = vector.broadcast %jit3A_277 : f32 to vector<64x512xf32>
    %max3A_280 = arith.maximumf %max3A_279, %mul3A_276 : vector<64x512xf32>
    %min3A_281 = vector.broadcast %jit3A_278 : f32 to vector<64x512xf32>
    %min3A_282 = arith.minimumf %min3A_281, %max3A_280 : vector<64x512xf32>
    %add3A_283 = arith.constant 1.000000e+00 : f32
    %add3A_284 = vector.broadcast %add3A_283 : f32 to vector<64x512xf32>
    %add3A_285 = arith.addf %add3A_284, %min3A_282 : vector<64x512xf32>
    %log3A_286 = math.log %add3A_285 : vector<64x512xf32>
    %sub3A_287 = arith.constant 1.000000e+00 : f32
    %sub3A_288 = vector.broadcast %sub3A_287 : f32 to vector<64x512xf32>
    %sub3A_289 = arith.subf %sub3A_288, %min3A_282 : vector<64x512xf32>
    %log3A_290 = math.log %sub3A_289 : vector<64x512xf32>
    %sub3A_291 = arith.subf %log3A_286, %log3A_290 : vector<64x512xf32>
    %mul3A_292 = arith.constant 5.000000e-01 : f32
    %mul3A_293 = vector.broadcast %mul3A_292 : f32 to vector<64x512xf32>
    %mul3A_294 = arith.mulf %mul3A_293, %sub3A_291 : vector<64x512xf32>
    %mul3A_295 = arith.constant 2.000000e+00 : f32
    %mul3A_296 = vector.broadcast %mul3A_295 : f32 to vector<64x512xf32>
    %mul3A_297 = arith.mulf %mul3A_296, %mul3A_294 : vector<64x512xf32>
    %div3A_298 = vector.broadcast %sqrt3A : vector<1x512xf32> to vector<64x512xf32>
    %div3A_299 = arith.divf %mul3A_297, %div3A_298 : vector<64x512xf32>
    %mul3A_300 = arith.mulf %div3A_299, %div3A_299 : vector<64x512xf32>
    %neg3A_301 = arith.constant 0.000000e+00 : f32
    %neg3A_302 = vector.broadcast %neg3A_301 : f32 to vector<64x512xf32>
    %neg3A_303 = arith.subf %neg3A_302, %mul3A_300 : vector<64x512xf32>
    %swap3A = arith.constant 0 : index
    %swap3A_304 = arith.constant 0 : index
    %swap3A_305 = vector.load %arg5[%swap3A, %swap3A_304] : memref<64x512xf32, #tpu.memory_space<vmem>>, vector<64x512xf32>
    tpu.vector_store %arg5[%swap3A, %swap3A_304], %neg3A_303 {strides = array<i32>} : memref<64x512xf32, #tpu.memory_space<vmem>>, vector<64x512xf32>,
    return
  }
  func.func @transform_0(%arg0: i32) -> (i32, i32) {
    %c0_i32 = arith.constant 0 : i32
    %c0_i32_0 = arith.constant 0 : i32
    return %c0_i32, %arg0 : i32, i32
  }
  func.func @transform_1(%arg0: i32) -> (i32, i32) {
    %c0_i32 = arith.constant 0 : i32
    %c0_i32_0 = arith.constant 0 : i32
    return %c0_i32, %arg0 : i32, i32
  }
  func.func @transform_2(%arg0: i32) -> (i32, i32, i32) {
    %c0_i32 = arith.constant 0 : i32
    %c0_i32_0 = arith.constant 0 : i32
    %c0_i32_1 = arith.constant 0 : i32
    return %c0_i32, %c0_i32_0, %arg0 : i32, i32, i32
  }
  func.func @transform_3(%arg0: i32) -> (i32, i32) {
    %c0_i32 = arith.constant 0 : i32
    %c0_i32_0 = arith.constant 0 : i32
    %c0_i32_1 = arith.constant 0 : i32
    return %c0_i32, %c0_i32_0 : i32, i32
  }
  func.func @transform_4(%arg0: i32) -> (i32, i32) {
    %c0_i32 = arith.constant 0 : i32
    %c0_i32_0 = arith.constant 0 : i32
    return %c0_i32, %arg0 : i32, i32
  }
}

</mosaic_0001>

<sc_bundles>
// kernel: kernel.4.cloned.1.call-start
scs
__scs_entry_jumppad:
0x0: {  	(pc) =	sbr.rel $0x88, $3  }
0x1: {  	(tag) =	ssettag $0x0;
	lr =	simm.s32 $0x1  }
0x2: {  	[smem:$0x3F98] =	sst lr;
	_ =	strace $0xD0000000  }
0x3: {  	_ = 	snop  }
0x4: {  	_ = 	snop  }
0x5: {  	_ = 	snop  }
0x6: {  	_ = 	snop  }
0x7: {  	_ = 	snop  }
__scs_overlays_trampoline_lowered:
0x8: {  	[smem:$0x3FA7] =	sst s0  }
0x9: {  	[smem:$0x3FA8] =	sst s1  }
0xa: {  	[smem:$0x3FA9] =	sst s2  }
0xb: {  	[smem:$0x3FAA] =	sst s3  }
0xc: {  	[smem:$0x3FAB] =	sst s4  }
0xd: {  	[smem:$0x3FAC] =	sst s5  }
0xe: {  	[smem:$0x3FAD] =	sst s6  }
0xf: {  	[smem:$0x3FAE] =	sst s7  }
0x10: {  	[smem:$0x3FAF] =	sst s8  }
0x11: {  	[smem:$0x3FB0] =	sst s9;
	s0 =	simm.s32 @!p0 $0x0  }
0x12: {  	s1 =	sld [smem:$0x3F96];
	s0 =	simm.s32 @p0 $0x1  }
0x13: {  	[smem:$0x3FB1] =	sst s0;
	s0 =	simm.s32 @!p1 $0x0  }
0x14: {  	s2 =	sld [smem:$0x3F95];
	s0 =	simm.s32 @p1 $0x1  }
0x15: {  	[smem:$0x3FB2] =	sst s0;
	s0 =	simm.s32 @!p2 $0x0  }
0x16: {  	s3 =	sld [smem:$0x3FDB];
	s0 =	simm.s32 @p2 $0x1  }
0x17: {  	s4 =	simm.s32 $0x1BF5;
	[smem:$0x3FB4] =	sst s0  }
0x18: {  	s0 =	sld [smem:$0x3F97];
	_ =	swait.ge [sflag:s4], $0x0  }
0x19: {  	s7 =	sld [smem:$0x3F98]  }
0x1a: {  	s8 =	sadd.s32 $0xFFFFE003, lr  }
0x1b: {  	s9 =	sadd.s32 $0xFFFFFEF7, lr;
	s5 =	simm.s32 $0xFFFFFFFF;
	p2 =	slt.u32 s8, $0xFFFFF086  }
0x1c: {  	p1 =	slt.u32 s9, $0xF7A;
	s5 =	simm.s32 @!p2 $0x0  }
0x1d: {  	s5 =	simm.s32 @p1 $0x1;
	p0 =	seq.s32 s7, s2  }
0x1e: {  	s7 =	smul.u32 @!p0 $0xF7A, s2;
	p2 =	seq.s32 @!p0 s5, $0x0  }
0x1f: {  	s9 =	smul.u32 $0xF7A, s1;
	s8 =	simm.s32 @!p0 $0x1BF5;
	p2 =	por !p2, p0  }
0x20: {  	[sflag:s8] =	ssyncset.s32 @!p0 $0xFFFFF086;
	s6 =	sadd.s32 @!p0 s3, s7;
	s7 =	simm.s32 @!p0 $0x108  }
0x21: {  	s3 =	sadd.s32 s3, s9;
	s6 =	sadd.s32 @!p0 $0x88, s6;
	s7 =	simm.s32 @p2 $0x1082  }
0x22: {  	[simem:s7], [sflag:s8] =	dma.local @!p0 [hbm:s6], $0xF7A  }
0x23: {  	s9 =	sor.u32 $0xD0000000, s2;
	s6 =	simm.s32 $0x108;
	_ =	swait.ge @!p0 [sflag:s8], $0x0  }
0x24: {  	s3 =	sadd.s32 $0x88, s3;
	s6 =	simm.s32 @!p1 $0x1082;
	[sflag:s4] =	ssyncset.s32 $0xFFFFF086  }
0x25: {  	[simem:s6], [sflag:s4] =	dma.local [hbm:s3], $0xF7A  }
0x26: {  	[smem:$0x3F98] =	sst s1;
	(tag) =	ssettag s2;
	_ =	strace s9  }
0x27: {  	s1 =	sld [smem:$0x3FA8]  }
0x28: {  	s2 =	sld [smem:$0x3FA9]  }
0x29: {  	s4 =	sld [smem:$0x3FAB]  }
0x2a: {  	p0 =	seq.s32 s5, $0x0;
	s5 =	sld [smem:$0x3FAC]  }
0x2b: {  	s6 =	sld [smem:$0x3FAD]  }
0x2c: {  	s7 =	sld [smem:$0x3FAE]  }
0x2d: {  	s3 =	simm.s32 $0x108;
	s8 =	sld [smem:$0x3FAF]  }
0x2e: {  	s3 =	simm.s32 @!p0 $0x1082;
	s9 =	sld [smem:$0x3FB0]  }
0x2f: {  	lr =	sadd.s32 s0, s3;
	s0 =	sld [smem:$0x3FA7]  }
0x30: {  	s3 =	sld [smem:$0x3FAA]  }
0x31: {  	[smem:$0x3FB3] =	sst s10  }
0x32: {  	s10 =	sld [smem:$0x3FB1];
	_ =	sdelay $0x3  }
0x33: {  	p0 =	seq.s32 s10, $0x1;
	s10 =	sld [smem:$0x3FB3];
	_ =	sdelay $0x3  }
0x34: {  	[smem:$0x3FB3] =	sst s10  }
0x35: {  	s10 =	sld [smem:$0x3FB2];
	_ =	sdelay $0x3  }
0x36: {  	p1 =	seq.s32 s10, $0x1;
	s10 =	sld [smem:$0x3FB3];
	_ =	sdelay $0x3  }
0x37: {  	[smem:$0x3FB3] =	sst s10  }
0x38: {  	s10 =	sld [smem:$0x3FB4]  }
0x39: {  	_ = 	snop;
	(pc) =	sbr.ind lr, $3  }
0x3a: {  	_ = 	snop  }
0x3b: {  	_ = 	snop  }
0x3c: {  	p2 =	seq.s32 s10, $0x1;
	s10 =	sld [smem:$0x3FB3]  }
0x3d: {  	_ =	shalt  }
0x3e: {  	_ =	shalt  }
0x3f: {  	_ =	shalt  }
0x40: {  	_ =	shalt  }
0x41: {  	_ =	shalt  }
0x42: {  	_ =	shalt  }
0x43: {  	_ =	shalt  }
0x44: {  	_ =	shalt  }
0x45: {  	_ =	shalt  }
0x46: {  	_ =	shalt  }
0x47: {  	_ =	shalt  }
0x48: {  	_ =	shalt  }
0x49: {  	_ =	shalt  }
0x4a: {  	_ =	shalt  }
0x4b: {  	_ =	shalt  }
0x4c: {  	_ =	shalt  }
0x4d: {  	_ =	shalt  }
0x4e: {  	_ =	shalt  }
0x4f: {  	_ =	shalt  }
0x50: {  	_ =	shalt  }
0x51: {  	_ =	shalt  }
0x52: {  	_ =	shalt  }
0x53: {  	_ =	shalt  }
0x54: {  	_ =	shalt  }
0x55: {  	_ =	shalt  }
0x56: {  	_ =	shalt  }
0x57: {  	_ =	shalt  }
0x58: {  	_ =	shalt  }
0x59: {  	_ =	shalt  }
0x5a: {  	_ =	shalt  }
0x5b: {  	_ =	shalt  }
0x5c: {  	_ =	shalt  }
0x5d: {  	_ =	shalt  }
0x5e: {  	_ =	shalt  }
0x5f: {  	_ =	shalt  }
0x60: {  	_ =	shalt  }
0x61: {  	_ =	shalt  }
0x62: {  	_ =	shalt  }
0x63: {  	_ =	shalt  }
0x64: {  	_ =	shalt  }
0x65: {  	_ =	shalt  }
0x66: {  	_ =	shalt  }
0x67: {  	_ =	shalt  }
0x68: {  	_ =	shalt  }
0x69: {  	_ =	shalt  }
0x6a: {  	_ =	shalt  }
0x6b: {  	_ =	shalt  }
0x6c: {  	_ =	shalt  }
0x6d: {  	_ =	shalt  }
0x6e: {  	_ =	shalt  }
0x6f: {  	_ =	shalt  }
0x70: {  	_ =	shalt  }
0x71: {  	_ =	shalt  }
0x72: {  	_ =	shalt  }
0x73: {  	_ =	shalt  }
0x74: {  	_ =	shalt  }
0x75: {  	_ =	shalt  }
0x76: {  	_ =	shalt  }
0x77: {  	_ =	shalt  }
0x78: {  	_ =	shalt  }
0x79: {  	_ =	shalt  }
0x7a: {  	_ =	shalt  }
0x7b: {  	_ =	shalt  }
0x7c: {  	_ =	shalt  }
0x7d: {  	_ =	shalt  }
0x7e: {  	_ =	shalt  }
0x7f: {  	_ =	shalt  }
0x80: {  	_ =	shalt  }
0x81: {  	_ =	shalt  }
0x82: {  	_ =	shalt  }
0x83: {  	_ =	shalt  }
0x84: {  	_ =	shalt  }
0x85: {  	_ =	shalt  }
0x86: {  	_ =	shalt  }
0x87: {  	_ =	shalt  }
.Lfunc_end0:
.L_simem_size_0:
called_computation_lowered:
.L_overlay_start_0:
0x88: {  	s2 =	sld [smem:$0x3FD9]  }
0x89: {  	s3 =	sld [smem:$0x3FFE];
	_ =	sdelay $0x1  }
0x8a: {  	s1 =	srdreg.scid  }
0x8b: {  	s0 =	sand.u32 $0x1, s1  }
0x8c: {  	s17 =	sshll.u32 s0, $0xA;
	s2 =	sadd.s32 s3, s2  }
0x8d: {  	s2 =	sadd.s32 s2, s17  }
0x8e: {  	[smem:$0x3FBF] =	sst s2  }
0x8f: {  	_ = 	snop  }
0x90: {  	s2 =	sld [smem:$0x3FD0];
	(tm) =	ssettm $0x1  }
0x91: {  	s18 =	sld [smem:$0x3FFB];
	_ =	sdelay $0x3  }
0x92: {  	_ =	strace s18  }
0x93: {  	s3 =	sld [smem:$0x3FFC];
	_ =	sdelay $0x3  }
0x94: {  	_ =	strace s3  }
0x95: {  	s3 =	sld [smem:$0x3FFD];
	_ =	sdelay $0x3  }
0x96: {  	_ =	strace s3  }
0x97: {  	_ =	strace $0x8FFFFFFF  }
0x98: {  	s19 =	sld [smem:$0x3FDB];
	_ =	sdelay $0x1  }
0x99: {  	s4 =	simm.s32 $_scs_section_size  }
0x9a: {  	s5 =	simm.s32 $_size__tile_overlayer_lowered;
	s6 =	simm.s32 $_tile_overlayer_lowered  }
0x9b: {  	s22 =	simm.s32 $0x1BFF;
	s21 =	sshll.u32 s6, $0x1;
	s3 =	sadd.s32 s4, s19  }
0x9c: {  	s7 =	simm.s32 $0x0;
	s20 =	sshll.u32 s5, $0x1;
	s5 =	sadd.s32 s21, s3  }
0x9d: {  	[timem:s7], [sflag:s22] =	dma.local [hbm:s5], s20  }
0x9e: {  	_ =	swait.ge [sflag:s22], s20  }
0x9f: {  	s4 =	ssub.s32 $0x0, s20;
	[sflag:s22] =	ssyncset.done $0x0  }
0xa0: {  	[sflag:s22] =	ssyncadd.s32 s4;
	_ =	sdelay $0x1  }
0xa1: {  	s23 =	simm.s32 $0x1B8B  }
0xa2: {  	_ =	swait.ge [sflag:s23], $0x1  }
0xa3: {  	[sflag:s23] =	ssyncset.done $0x0  }
0xa4: {  	s25 =	simm.s32 $0x1B8E;
	s24 =	sld [smem:$0x3FFE];
	[sflag:s23] =	ssyncadd.s32 $0xFFFFFFFF  }
0xa5: {  	s26 =	simm.s32 $execute0_lowered;
	[smem:$0x3FD2] =	sst s25  }
0xa6: {  	s5 =	sshll.u32 s26, $0x1;
	_ =	strace $0x80000046;
	[dreg:$0x1] =	wrdreg $0xFFFFFFFF  }
0xa7: {  	s28 =	simm.s32 $_size_execute0_lowered;
	s3 =	sadd.s32 s3, s5;
	[dreg:$0x0] =	wrdreg $0x0  }
0xa8: {  	s5 =	sshll.u32 s28, $0x1;
	[dreg:$0x2] =	wrdreg s3  }
0xa9: {  	[dreg:$0x3] =	wrdreg s5  }
0xaa: {  	[dreg:$0x4] =	wrdreg $0xC0  }
0xab: {  	_ =	task [dreg:s7], $0x5FFFF  }
0xac: {  	[dreg:$0x1] =	wrdreg $0xFFFFFFFF  }
0xad: {  	[dreg:$0x0] =	wrdreg $0x60  }
0xae: {  	[dreg:$0x2] =	wrdreg s24  }
0xaf: {  	[dreg:$0x3] =	wrdreg s2  }
0xb0: {  	[dreg:$0x4] =	wrdreg $0x9  }
0xb1: {  	_ =	task.clear_ibuf [dreg:s7], $0x5FFFF;
	_ =	strace $0x90000046  }
0xb2: {  	s29 =	simm.s32 $0x9;
	_ =	strace $0x80000048  }
0xb3: {  	_ =	swait.ge [sflag:s29], $0x1  }
0xb4: {  	[sflag:s29] =	ssyncadd.s32 $0xFFFFFFFF  }
0xb5: {  	_ =	strace $0x90000048  }
0xb6: {  	_ =	sfence  }
0xb7: {  	s30 =	sld [smem:$0x0];
	_ =	sdelay $0x2  }
0xb8: {  	s31 =	sshll.u32 s1, $0xD;
	s1 =	sshrl.u32 s1, $0x2  }
0xb9: {  	s3 =	sand.u32 $0x4000, s31;
	s1 =	sadd.s32 s1, s30  }
0xba: {  	s0 =	sor.u32 s3, s0;
	s1 =	sshll.u32 s1, $0x11  }
0xbb: {  	s0 =	sor.u32 s1, s0  }
0xbc: {  	s0 =	sadd.s32 $0x8F2B, s0  }
0xbd: {  	[sflag:s0] =	ssyncadd.remote.s32 $0x1  }
0xbe: {  	_ =	sfence.sel $0xFFFF  }
0xbf: {  	[dreg:$0x0] =	wrdreg $0xFFFFFFFF;
	(pc) =	sbr.abs _section_cstart, $3  }
0xc0: {  	[dreg:$0x1] =	wrdreg $0xFFFFFFFF  }
0xc1: {  	_ =	task.clear_ibuf [dreg:s7], $0x2FFFF;
	_ =	strace $0x9FFFFFFF  }
0xc2: {  	(tm) =	ssettm $0x7FFFFFFF  }
0xc3: {  	_ =	shalt  }
tec
execute0_lowered:
.L_overlay_start_1:
0x0: {  	(tag) =	ssettag $0x1  }
0x1: {  	s5 =	rddreg [dreg:$0x0]  }
0x2: {  	s6 =	rddreg [dreg:$0x1]  }
0x3: {  	s0 =	rddreg [dreg:$0x2];
	s2 =	simm.s32 $0x0;
	s4 =	srdreg.scid  }
0x4: {  	s1 =	stileid.u32;
	s12 =	simm.s32 $0x80;
	s13 =	simm.s32 $0x4080  }
0x5: {  	s14 =	simm.s32 $0x5;
	s15 =	simm.s32 $0x2000;
	s16 =	simm.s32 $0x0  }
0x6: {  	[smem:$0x7FF] =	sst s2;
	s7 =	sand.u32 $0x1, s4;
	s8 =	sshll.u32 s1, $0x1  }
0x7: {  	s3 =	sadd.s32 $0x1000, s5;
	s4 =	sadd.s32 $0x1FA00, s5;
	s8 =	sor.u32 s7, s8  }
0x8: {  	_ =	strace $0x80000047;
	s7 =	ssub.s32 $0x2, s7;
	s9 =	sshll.u32 s8, $0xA  }
0x9: {  	s8 =	sshll.u32 s8, $0x4;
	s10 =	sshrl.u32 s7, $0x1;
	s11 =	sadd.s32 s9, s5  }
0xa: {  	s8 =	sadd.s32 s8, s5;
	s10 =	ssub.s32 s7, s10;
	s5 =	sadd.s32 s6, s9  }
0xb: {  	s6 =	sadd.s32 $0xE00, s8;
	s7 =	sadd.s32 $0x3E400, s8;
	s8 =	sadd.s32 $0x3E600, s11  }
0xc: {  	s9 =	smax.u32 s10, $0x1;
	s10 =	simm.s32 $0x6;
	s11 =	simm.s32 $0x4000  }
.LBB2_1:
0xd: {  	[tilespmem:s2], [sflag:$0x6] =	stream.linear.gather [hbm4b:s5+s2], $0x2000, $0x38;
	[tilespmem:$0x4100] =	vst v63  }
0xe: {  	_ =	swait.ge [sflag:s10], $0x2000  }
0xf: {  	[sflag:s10] =	ssyncset.done $0x0  }
0x10: {  	[sflag:s10] =	ssyncadd.s32 $0xFFFFE000  }
0x11: {  	[tilespmem:s11], [sflag:$0x6] =	stream.linear.gather [hbm4b:s6+s2], $0x80, $0x38;
	[tilespmem:$0x4100] =	vst v63  }
0x12: {  	_ =	swait.ge [sflag:s10], $0x80  }
0x13: {  	s17 =	simm.s32 $0x2000;
	[sflag:s10] =	ssyncset.done $0x0  }
0x14: {  	s18 =	simm.s32 $0x0;
	s19 =	simm.s32 $0x0;
	[sflag:s10] =	ssyncadd.s32 $0xFFFFFF80  }
0x15: {  	[tilespmem:s13], [sflag:$0x5] =	stream.indirect.gather [hbm4b:s4+s12], $0x1, s11, s12, $0xb8;
	[tilespmem:$0x4100] =	vst v63  }
.LBB2_2:
0x16: {  	s20 =	sand.u32 $0x3, s19  }
0x17: {  	p0 =	sgt.s32 s20, $0x1  }
0x18: {  	p1 =	seq.s32 @p0 s20, $0x2  }
0x19: {  	p2 =	seq.s32 @!p0 s20, $0x0;
	p1 =	por !p1, !p0  }
0x1a: {  	s20 =	simm.s32 $0x1;
	p2 =	por !p2, p0;
	s21 =	simm.s32 @!p1 $0x3  }
0x1b: {  	s19 =	sadd.s32 $0x1, s19;
	s20 =	simm.s32 @p2 $0x2;
	s21 =	simm.s32 @p1 $0x4  }
0x1c: {  	s20 =	smov.u32 @p0 s21;
	p0 =	sne.s32 s19, $0x40  }
.Ltmp0:
0x1d: {  	_ = 	snop;
	(pc) =	sbr.rel @p0 .LBB2_2-.Ltmp0, $3  }
0x1e: {  	_ =	sdelay $0x1  }
0x1f: {  	[tilespmem:s17], [sflag:s20] =	stream.indirect.gather [hbm4b:s3+s12], $0x1, s18, s12, $0xb8;
	[tilespmem:$0x4100] =	vst v63  }
0x20: {  	s18 =	sadd.s32 $0x80, s18;
	s17 =	sadd.s32 $0x80, s17  }
0x21: {  	_ =	swait.ge [sflag:s14], $0x80  }
0x22: {  	[sflag:s14] =	ssyncset.done $0x0  }
0x23: {  	s17 =	simm.s32 $0x0;
	[sflag:s14] =	ssyncadd.s32 $0xFFFFFF80  }
0x24: {  	[hbm4b:s7+s17] =	stream.linear.scatter [tilespmem:s13], [sflag:$0x6], $0x80, $0x38;
	[tilespmem:$0x4100] =	vst v63  }
0x25: {  	s17 =	sand.u32 $0x3, s17  }
0x26: {  	p0 =	sgt.s32 s17, $0x1  }
0x27: {  	s19 =	simm.s32 $0x1;
	p1 =	seq.s32 @p0 s17, $0x2  }
0x28: {  	_ =	swait.ge [sflag:s10], $0x80;
	p2 =	seq.s32 @!p0 s17, $0x0;
	p1 =	por !p1, !p0  }
0x29: {  	s17 =	simm.s32 $0x1;
	p2 =	por !p2, p0;
	s18 =	simm.s32 @!p1 $0x3  }
0x2a: {  	[sflag:s10] =	ssyncset.done $0x0;
	s17 =	simm.s32 @p2 $0x2;
	s18 =	simm.s32 @p1 $0x4  }
0x2b: {  	s19 =	sand.u32 $0x3, s19;
	[sflag:s10] =	ssyncadd.s32 $0xFFFFFF80;
	s17 =	smov.u32 @p0 s18  }
0x2c: {  	s18 =	simm.s32 $0x2;
	p0 =	sgt.s32 s19, $0x1;
	_ =	swait.ge [sflag:s17], $0x80  }
0x2d: {  	p2 =	seq.s32 @p0 s19, $0x2;
	p1 =	seq.s32 @!p0 s19, $0x0;
	[sflag:s17] =	ssyncset.done $0x0  }
.LBB2_4:
0x2e: {  	p2 =	por !p2, !p0;
	s19 =	smov.u32 s18;
	s18 =	sadd.s32 $0x1, s18  }
0x2f: {  	[sflag:s17] =	ssyncadd.s32 $0xFFFFFF80;
	p1 =	por !p1, p0;
	p3 =	sne.s32 s18, $0x40  }
.Ltmp1:
0x30: {  	s17 =	simm.s32 $0x1;
	s20 =	simm.s32 @!p2 $0x3;
	(pc) =	sbr.rel @p3 .LBB2_4-.Ltmp1, $4  }
0x31: {  	s17 =	simm.s32 @p1 $0x2;
	s20 =	simm.s32 @p2 $0x4  }
0x32: {  	s19 =	sand.u32 $0x3, s19;
	s17 =	smov.u32 @p0 s20  }
0x33: {  	p0 =	sgt.s32 s19, $0x1;
	_ =	swait.ge [sflag:s17], $0x80  }
0x34: {  	p2 =	seq.s32 @p0 s19, $0x2;
	p1 =	seq.s32 @!p0 s19, $0x0;
	[sflag:s17] =	ssyncset.done $0x0  }
0x35: {  	p2 =	por !p2, !p0  }
0x36: {  	p1 =	por !p1, p0;
	s19 =	simm.s32 $0x1;
	s18 =	simm.s32 @!p2 $0x3  }
0x37: {  	s19 =	simm.s32 @p1 $0x2;
	s18 =	simm.s32 @p2 $0x4  }
0x38: {  	[sflag:s17] =	ssyncadd.s32 $0xFFFFFF80;
	s19 =	smov.u32 @p0 s18  }
0x39: {  	s16 =	sadd.s32 $0x1, s16;
	_ =	swait.ge [sflag:s19], $0x80  }
0x3a: {  	p0 =	sne.s32 s16, s9;
	[sflag:s19] =	ssyncset.done $0x0  }
.Ltmp2:
0x3b: {  	[sflag:s19] =	ssyncadd.s32 $0xFFFFFF80;
	(pc) =	sbr.rel @p0 .LBB2_1-.Ltmp2, $4  }
0x3c: {  	[hbm4b:s8+s2] =	stream.linear.scatter [tilespmem:s15], [sflag:$0x6], $0x2000, $0x38;
	[tilespmem:$0x4100] =	vst v63  }
0x3d: {  	_ =	swait.ge [sflag:s10], $0x2000  }
0x3e: {  	[sflag:s10] =	ssyncset.done $0x0  }
0x3f: {  	[sflag:s10] =	ssyncadd.s32 $0xFFFFE000  }
0x40: {  	_ =	sfence.sel $0x180000  }
0x41: {  	[bflag:$0x0] =	sbarrier.arrive $0xFFFF  }
0x42: {  	p0 =	sne.s32 s1, $0x0;
	_ =	strace $0x90000047  }
0x43: {  	s0 =	sadd.s32 @!p0 $0x100000, s0;
	[bflag:$0x2] =	sbarrier.arrive $0xFFFF  }
0x44: {  	[sflag:s0] =	ssyncadd.tile.s32 @!p0 $0x1;
	_ =	shalt  }
.Lfunc_end2:
_tile_overlayer_lowered:
.L_overlay_start_2:
0x45: {  	(tag) =	ssettag $0x2  }
0x46: {  	s0 =	rddreg [dreg:$0x0];
	s2 =	stileid.u32  }
0x47: {  	s1 =	rddreg [dreg:$0x1];
	p0 =	sne.s32 s2, $0x0  }
0x48: {  	s3 =	rddreg [dreg:$0x2];
	[bflag:$0x3] =	sbarrier.arrive $0xFFFF;
	s2 =	simm.s32 @!p0 $0x1C06  }
0x49: {  	[timem:s3], [sflag:s2] =	dma.local @!p0 [hbm:s0], s1  }
0x4a: {  	s0 =	simm.s32 @!p0 $0x6  }
0x4b: {  	_ =	swait.ge @!p0 [sflag:s0], s1  }
0x4c: {  	s1 =	ssub.s32 @!p0 $0x0, s1;
	[sflag:s0] =	ssyncset.done @!p0 $0x0  }
0x4d: {  	[sflag:s0] =	ssyncadd.s32 @!p0 s1  }
0x4e: {  	[bflag:$0x3] =	sbarrier.arrive $0xFFFF  }
0x4f: {  	_ =	shalt  }

</sc_bundles>
